<compile_context>
chip_gen: v7x
topology: tpu7x:2x2x1
jax: 0.10.2.dev20260603
libtpu: 0.0.44.dev20260713+nightly
codegen_flags: <defaults>
</compile_context>

<pallas_src>
import functools

import jax
import jax.numpy as jnp
from jax import lax
from jax.experimental import pallas as pl
from jax.experimental.pallas import tpu as pltpu
from jax.experimental.pallas import tpu_sc as plsc

N = 10000
E = 320000
F_IN = 128
HID = 16
C = 40

NC = 2
NS = 16
NW = NC * NS
CH = 128
NCHUNK = 80
EPW = NCHUNK * CH
E_PAD = NW * EPW
N_PAD = 10240
RPS = N_PAD // NS
DEGW = 16
NBUF = 4

_SC_PARAMS = pltpu.CompilerParams(use_tc_tiling_on_sc=False)


def _sc_mesh():
  return plsc.VectorSubcoreMesh(core_axis_name="c", subcore_axis_name="s")


def _deg_kernel():
  @functools.partial(
      pl.kernel,
      out_type=jax.ShapeDtypeStruct((NC, N_PAD, DEGW), jnp.float32),
      mesh=_sc_mesh(),
      scratch_types=[
          pltpu.VMEM((NCHUNK, CH), jnp.int32),
          pltpu.VMEM((CH, DEGW), jnp.float32),
          pltpu.VMEM_SHARED((N_PAD, DEGW), jnp.float32),
      ],
      compiler_params=_SC_PARAMS,
  )
  def k(dst_hbm, ones_hbm, zeros_hbm, out_hbm, dst_v, ones_v, acc):
    cid = lax.axis_index("c")
    sid = lax.axis_index("s")
    wid = cid * NS + sid
    pltpu.sync_copy(zeros_hbm, acc.at[pl.ds(sid * RPS, RPS)])
    pltpu.sync_copy(dst_hbm.at[wid], dst_v)
    pltpu.sync_copy(ones_hbm, ones_v)
    plsc.subcore_barrier()

    def body(j, carry):
      pltpu.sync_copy(ones_v, acc.at[dst_v.at[j]], add=True)
      return carry

    lax.fori_loop(0, NCHUNK, body, 0)
    plsc.subcore_barrier()
    pltpu.sync_copy(acc.at[pl.ds(sid * RPS, RPS)],
                    out_hbm.at[cid, pl.ds(sid * RPS, RPS)])

  return k


def _agg_kernel(feat):
  @functools.partial(
      pl.kernel,
      out_type=jax.ShapeDtypeStruct((NC, N_PAD, feat), jnp.float32),
      mesh=_sc_mesh(),
      scratch_types=[
          pltpu.VMEM((NCHUNK, CH), jnp.int32),
          pltpu.VMEM((NCHUNK, CH), jnp.int32),
          pltpu.VMEM((NBUF, CH, feat), jnp.float32),
          pltpu.VMEM_SHARED((N_PAD, feat), jnp.float32),
          pltpu.SemaphoreType.DMA((NBUF,)),
      ],
      compiler_params=_SC_PARAMS,
  )
  def k(xs_hbm, src_hbm, dst_hbm, zeros_hbm, out_hbm,
        src_v, dst_v, bufs, acc, gsems):
    cid = lax.axis_index("c")
    sid = lax.axis_index("s")
    wid = cid * NS + sid
    pltpu.sync_copy(zeros_hbm, acc.at[pl.ds(sid * RPS, RPS)])
    pltpu.sync_copy(src_hbm.at[wid], src_v)
    pltpu.sync_copy(dst_hbm.at[wid], dst_v)
    plsc.subcore_barrier()

    for b in range(NBUF):
      pltpu.async_copy(xs_hbm.at[src_v.at[b]], bufs.at[b], gsems.at[b])

    ngrp = NCHUNK // NBUF

    def grp(p, carry):
      for b in range(NBUF):
        j = p * NBUF + b
        pltpu.make_async_copy(xs_hbm.at[src_v.at[j]], bufs.at[b],
                              gsems.at[b]).wait()
        pltpu.sync_copy(bufs.at[b], acc.at[dst_v.at[j]], add=True)

        @pl.when(p < ngrp - 1)
        def _():
          pltpu.async_copy(xs_hbm.at[src_v.at[j + NBUF]], bufs.at[b],
                           gsems.at[b])

      return carry

    lax.fori_loop(0, ngrp, grp, 0)
    plsc.subcore_barrier()
    pltpu.sync_copy(acc.at[pl.ds(sid * RPS, RPS)],
                    out_hbm.at[cid, pl.ds(sid * RPS, RPS)])

  return k


_ROWS = 1000


def _dinv_of(deg_ref0, deg_ref1):
  return lax.rsqrt(deg_ref0[:, 0:1] + deg_ref1[:, 0:1] + 1.0)


def _tc1_body(x_ref, w1_ref, d0_ref, d1_ref, o_ref):
  dinv = _dinv_of(d0_ref, d1_ref)
  xw = jnp.dot(x_ref[...], w1_ref[...], preferred_element_type=jnp.float32)
  o_ref[...] = xw * dinv


def _tc2_body(a0_ref, a1_ref, xs1_ref, d0_ref, d1_ref, w2_ref, b1_ref, o_ref):
  dinv = _dinv_of(d0_ref, d1_ref)
  h = a0_ref[...] + a1_ref[...] + xs1_ref[...]
  h = jnp.maximum(h * dinv + b1_ref[...], 0.0)
  o_ref[...] = jnp.dot(h, w2_ref[...],
                       preferred_element_type=jnp.float32) * dinv


def _tc3_body(a0_ref, a1_ref, xs2_ref, d0_ref, d1_ref, b2_ref, o_ref):
  dinv = _dinv_of(d0_ref, d1_ref)
  o = (a0_ref[...] + a1_ref[...] + xs2_ref[...]) * dinv + b2_ref[...]
  m = jnp.max(o, axis=1, keepdims=True)
  lse = jnp.log(jnp.sum(jnp.exp(o - m), axis=1, keepdims=True)) + m
  o_ref[...] = o - lse


def _row_spec(w):
  return pl.BlockSpec((_ROWS, w), lambda i: (i, 0))


def _full_spec(shape):
  return pl.BlockSpec(shape, lambda i: tuple(0 for _ in shape))


@jax.jit
def kernel(x, edge_index, W1, b1, W2, b2):
  npad = E_PAD - E
  pad_dst = N + jnp.arange(npad, dtype=jnp.int32) % jnp.int32(N_PAD - N)
  src3 = jnp.concatenate(
      [edge_index[0], jnp.zeros((npad,), jnp.int32)]).reshape(NW, NCHUNK, CH)
  dst3 = jnp.concatenate(
      [edge_index[1], pad_dst]).reshape(NW, NCHUNK, CH)
  ones = jnp.ones((CH, DEGW), jnp.float32)
  zeros_d = jnp.zeros((RPS, DEGW), jnp.float32)
  zeros_1 = jnp.zeros((RPS, HID), jnp.float32)
  zeros_2 = jnp.zeros((RPS, C), jnp.float32)

  degp = _deg_kernel()(dst3, ones, zeros_d)
  d0 = degp[0, :N]
  d1 = degp[1, :N]

  grid = (N // _ROWS,)
  xs1 = pl.pallas_call(
      _tc1_body,
      grid=grid,
      in_specs=[_row_spec(F_IN), _full_spec((F_IN, HID)),
                _row_spec(DEGW), _row_spec(DEGW)],
      out_specs=_row_spec(HID),
      out_shape=jax.ShapeDtypeStruct((N, HID), jnp.float32),
  )(x, W1, d0, d1)

  agg1 = _agg_kernel(HID)(xs1, src3, dst3, zeros_1)

  xs2 = pl.pallas_call(
      _tc2_body,
      grid=grid,
      in_specs=[_row_spec(HID), _row_spec(HID), _row_spec(HID),
                _row_spec(DEGW), _row_spec(DEGW),
                _full_spec((HID, C)), _full_spec((1, HID))],
      out_specs=_row_spec(C),
      out_shape=jax.ShapeDtypeStruct((N, C), jnp.float32),
  )(agg1[0, :N], agg1[1, :N], xs1, d0, d1, W2, b1.reshape(1, HID))

  agg2 = _agg_kernel(C)(xs2, src3, dst3, zeros_2)

  out = pl.pallas_call(
      _tc3_body,
      grid=grid,
      in_specs=[_row_spec(C), _row_spec(C), _row_spec(C),
                _row_spec(DEGW), _row_spec(DEGW), _full_spec((1, C))],
      out_specs=_row_spec(C),
      out_shape=jax.ShapeDtypeStruct((N, C), jnp.float32),
  )(agg2[0, :N], agg2[1, :N], xs2, d0, d1, b2.reshape(1, C))

  return out

# --- scband reference (transcript-rebuilt; emitter-appended) ---
"""Pipeline reference for scband-gcn-80255758893370 (READ-ONLY COPY).

The authoritative reference and input builder live on the scoring server;
editing this copy changes nothing except your own understanding.
"""

import jax, jax.numpy as jnp
import numpy as np

N = 10000
E = 320000
F_IN = 128
HID = 16
C = 40

def setup_inputs(seed: int = 0) -> dict:
    key = jax.random.key(seed)
    k1, k2, k3, k4, k5, k6 = jax.random.split(key, 6)
    x = jax.random.normal(k1, (N, F_IN), dtype=jnp.float32)
    edge_index = jax.random.randint(k2, (2, E), 0, N, dtype=jnp.int32)
    W1 = jax.random.normal(k3, (F_IN, HID), dtype=jnp.float32) * (1.0 / np.sqrt(F_IN))
    b1 = jnp.zeros((HID,), dtype=jnp.float32)
    W2 = jax.random.normal(k4, (HID, C), dtype=jnp.float32) * (1.0 / np.sqrt(HID))
    b2 = jnp.zeros((C,), dtype=jnp.float32)
    return {"x": x, "edge_index": edge_index, "W1": W1, "b1": b1, "W2": W2, "b2": b2}

def _gcn_conv(x, W, b, src, dst, n):
    # PyG GCNConv: add self-loops, symmetric normalization D^-1/2 (A+I) D^-1/2 X W + b
    loop = jnp.arange(n, dtype=src.dtype)
    src2 = jnp.concatenate([src, loop])
    dst2 = jnp.concatenate([dst, loop])
    deg = jnp.zeros((n,), dtype=x.dtype).at[dst2].add(1.0)
    dinv = jnp.where(deg > 0, deg ** -0.5, 0.0)
    norm = dinv[src2] * dinv[dst2]
    xw = x @ W
    msg = xw[src2] * norm[:, None]
    out = jnp.zeros((n, W.shape[1]), dtype=x.dtype).at[dst2].add(msg)
    return out + b

def reference(x, edge_index, W1, b1, W2, b2):
    src = edge_index[0]
    dst = edge_index[1]
    # eval mode: dropout is identity
    h = _gcn_conv(x, W1, b1, src, dst, N)
    h = jax.nn.relu(h)
    o = _gcn_conv(h, W2, b2, src, dst, N)
    return jax.nn.log_softmax(o, axis=1)

if __name__ == "__main__":
    import jax
    _d = setup_inputs()
    print(jax.jit(kernel)(*tuple(_d.values())))

</pallas_src>

<mosaic_0001>
#map = affine_map<(d0, d1) -> (0, 0, 0)>
#map1 = affine_map<(d0, d1) -> (0, 0)>
module attributes {stable_mosaic.version = 14 : i64} {
  func.func @k(%arg0: i32, %arg1: i32, %arg2: memref<32x80x128xi32, #tpu.memory_space<hbm>>, %arg3: memref<128x16xf32, #tpu.memory_space<hbm>>, %arg4: memref<640x16xf32, #tpu.memory_space<hbm>>, %arg5: memref<2x10240x16xf32, #tpu.memory_space<hbm>>, %arg6: memref<80x128xi32, #tpu.memory_space<vmem>>, %arg7: memref<128x16xf32, #tpu.memory_space<vmem>>, %arg8: memref<10240x16xf32, #tpu.memory_space<vmem_shared>>) attributes {dimension_semantics = [#tpu.dimension_semantics<core_parallel>, #tpu.dimension_semantics<subcore_parallel>], iteration_bounds = array<i64: 2, 16>, scalar_prefetch = 0 : i64, scratch_operands = 3 : i64, tpu.core_type = #tpu.core_type<sc_vector_subcore>, window_params = [{transform_indices = #map}, {transform_indices = #map1}, {transform_indices = #map1}, {transform_indices = #map}]} {
    %mul3A = arith.constant 16 : i32
    %mul3A_0 = arith.muli %arg0, %mul3A : i32
    %add3A = arith.addi %mul3A_0, %arg1 : i32
    %mul3A_1 = arith.constant 640 : i32
    %mul3A_2 = arith.muli %arg1, %mul3A_1 : i32
    "tpu.region"() ({
      %run_scoped3A = tpu.sem_alloc : memref<!tpu.dma_semaphore, #tpu.memory_space<semaphore_mem>>
      %dma_start3A = arith.constant 0 : i32
      %dma_start3A_13 = tpu.memref_slice %arg8[%mul3A_2, %dma_start3A] : memref<10240x16xf32, #tpu.memory_space<vmem_shared>> -> memref<640x16xf32, #tpu.memory_space<vmem_shared>>
      tpu.enqueue_dma source(%arg4 : memref<640x16xf32, #tpu.memory_space<hbm>>) target(%dma_start3A_13 : memref<640x16xf32, #tpu.memory_space<vmem_shared>>) target_semaphore(%run_scoped3A : memref<!tpu.dma_semaphore, #tpu.memory_space<semaphore_mem>>)
      %dma_wait3A = arith.constant 0 : i32
      %dma_wait3A_14 = tpu.memref_slice %arg8[%mul3A_2, %dma_wait3A] : memref<10240x16xf32, #tpu.memory_space<vmem_shared>> -> memref<640x16xf32, #tpu.memory_space<vmem_shared>>
      tpu.wait_dma2 semaphore(%run_scoped3A : memref<!tpu.dma_semaphore, #tpu.memory_space<semaphore_mem>>) src(%arg4 : memref<640x16xf32, #tpu.memory_space<hbm>>) dst(%dma_wait3A_14 : memref<640x16xf32, #tpu.memory_space<vmem_shared>>)
      tpu.yield
    }) : () -> ()
    "tpu.region"() ({
      %run_scoped3A = tpu.sem_alloc : memref<!tpu.dma_semaphore, #tpu.memory_space<semaphore_mem>>
      %dma_start3A = arith.constant 0 : i32
      %dma_start3A_13 = arith.constant 0 : i32
      %dma_start3A_14 = tpu.memref_slice %arg2[%add3A, %dma_start3A, %dma_start3A_13] : memref<32x80x128xi32, #tpu.memory_space<hbm>> -> memref<1x80x128xi32, #tpu.memory_space<hbm>>
      %dma_start3A_15 = tpu.memref_squeeze %dma_start3A_14 : memref<1x80x128xi32, #tpu.memory_space<hbm>> -> memref<80x128xi32, #tpu.memory_space<hbm>>
      %dma_start3A_16 = arith.constant 0 : i32
      %dma_start3A_17 = arith.constant 0 : i32
      %dma_start3A_18 = tpu.memref_slice %arg2[%add3A, %dma_start3A_16, %dma_start3A_17] : memref<32x80x128xi32, #tpu.memory_space<hbm>> -> memref<1x80x128xi32, #tpu.memory_space<hbm>>
      %dma_start3A_19 = tpu.memref_squeeze %dma_start3A_18 : memref<1x80x128xi32, #tpu.memory_space<hbm>> -> memref<80x128xi32, #tpu.memory_space<hbm>>
      tpu.enqueue_dma source(%dma_start3A_19 : memref<80x128xi32, #tpu.memory_space<hbm>>) target(%arg6 : memref<80x128xi32, #tpu.memory_space<vmem>>) target_semaphore(%run_scoped3A : memref<!tpu.dma_semaphore, #tpu.memory_space<semaphore_mem>>)
      %dma_wait3A = arith.constant 0 : i32
      %dma_wait3A_20 = arith.constant 0 : i32
      %dma_wait3A_21 = tpu.memref_slice %arg2[%add3A, %dma_wait3A, %dma_wait3A_20] : memref<32x80x128xi32, #tpu.memory_space<hbm>> -> memref<1x80x128xi32, #tpu.memory_space<hbm>>
      %dma_wait3A_22 = tpu.memref_squeeze %dma_wait3A_21 : memref<1x80x128xi32, #tpu.memory_space<hbm>> -> memref<80x128xi32, #tpu.memory_space<hbm>>
      %dma_wait3A_23 = arith.constant 0 : i32
      %dma_wait3A_24 = arith.constant 0 : i32
      %dma_wait3A_25 = tpu.memref_slice %arg2[%add3A, %dma_wait3A_23, %dma_wait3A_24] : memref<32x80x128xi32, #tpu.memory_space<hbm>> -> memref<1x80x128xi32, #tpu.memory_space<hbm>>
      %dma_wait3A_26 = tpu.memref_squeeze %dma_wait3A_25 : memref<1x80x128xi32, #tpu.memory_space<hbm>> -> memref<80x128xi32, #tpu.memory_space<hbm>>
      tpu.wait_dma2 semaphore(%run_scoped3A : memref<!tpu.dma_semaphore, #tpu.memory_space<semaphore_mem>>) src(%dma_wait3A_26 : memref<80x128xi32, #tpu.memory_space<hbm>>) dst(%arg6 : memref<80x128xi32, #tpu.memory_space<vmem>>)
      tpu.yield
    }) : () -> ()
    "tpu.region"() ({
      %run_scoped3A = tpu.sem_alloc : memref<!tpu.dma_semaphore, #tpu.memory_space<semaphore_mem>>
      tpu.enqueue_dma source(%arg3 : memref<128x16xf32, #tpu.memory_space<hbm>>) target(%arg7 : memref<128x16xf32, #tpu.memory_space<vmem>>) target_semaphore(%run_scoped3A : memref<!tpu.dma_semaphore, #tpu.memory_space<semaphore_mem>>)
      tpu.wait_dma2 semaphore(%run_scoped3A : memref<!tpu.dma_semaphore, #tpu.memory_space<semaphore_mem>>) src(%arg3 : memref<128x16xf32, #tpu.memory_space<hbm>>) dst(%arg7 : memref<128x16xf32, #tpu.memory_space<vmem>>)
      tpu.yield
    }) : () -> ()
    %barrier3A = arith.constant 0 : index
    tpu.barrier barrier_id(%barrier3A)
    %scan3A = arith.constant 0 : i32
    %scan3A_3 = arith.constant 0 : i32
    %scan3A_4 = arith.constant 80 : i32
    %scan3A_5 = arith.addi %scan3A_3, %scan3A_4 : i32
    %scan3A_6 = arith.constant 1 : i32
    scf.for %scan3A_13 = %scan3A_3 to %scan3A_5 step %scan3A_6  : i32 {
      "tpu.region"() ({
        %run_scoped3A = tpu.sem_alloc : memref<!tpu.dma_semaphore, #tpu.memory_space<semaphore_mem>>
        %dma_start3A = arith.constant 0 : i32
        %dma_start3A_14 = tpu.memref_slice %arg6[%scan3A_13, %dma_start3A] : memref<80x128xi32, #tpu.memory_space<vmem>> -> memref<1x128xi32, #tpu.memory_space<vmem>>
        %dma_start3A_15 = tpu.memref_squeeze %dma_start3A_14 : memref<1x128xi32, #tpu.memory_space<vmem>> -> memref<128xi32, #tpu.memory_space<vmem>>
        %dma_start3A_16 = arith.constant 0 : i32
        %dma_start3A_17 = arith.constant 0 : i32
        %dma_start3A_18 = tpu.memref_slice %arg8[%dma_start3A_16, %dma_start3A_17] : memref<10240x16xf32, #tpu.memory_space<vmem_shared>> -> memref<10240x16xf32, #tpu.memory_space<vmem_shared>>
        tpu.enqueue_indirect_dma source(%arg7 : memref<128x16xf32, #tpu.memory_space<vmem>>) target(%dma_start3A_18 : memref<10240x16xf32, #tpu.memory_space<vmem_shared>>) offsets(%dma_start3A_15 : memref<128xi32, #tpu.memory_space<vmem>>) semaphore(%run_scoped3A : memref<!tpu.dma_semaphore, #tpu.memory_space<semaphore_mem>>) {add = true}
        %dma_wait3A = arith.constant 0 : i32
        %dma_wait3A_19 = tpu.memref_slice %arg6[%scan3A_13, %dma_wait3A] : memref<80x128xi32, #tpu.memory_space<vmem>> -> memref<1x128xi32, #tpu.memory_space<vmem>>
        %dma_wait3A_20 = tpu.memref_squeeze %dma_wait3A_19 : memref<1x128xi32, #tpu.memory_space<vmem>> -> memref<128xi32, #tpu.memory_space<vmem>>
        %dma_wait3A_21 = arith.constant 0 : i32
        %dma_wait3A_22 = arith.constant 0 : i32
        %dma_wait3A_23 = tpu.memref_slice %arg8[%dma_wait3A_21, %dma_wait3A_22] : memref<10240x16xf32, #tpu.memory_space<vmem_shared>> -> memref<10240x16xf32, #tpu.memory_space<vmem_shared>>
        tpu.wait_indirect_dma semaphore(%run_scoped3A : memref<!tpu.dma_semaphore, #tpu.memory_space<semaphore_mem>>) src(%arg7 : memref<128x16xf32, #tpu.memory_space<vmem>>) dst(%dma_wait3A_23 : memref<10240x16xf32, #tpu.memory_space<vmem_shared>>)
        tpu.yield
      }) : () -> ()
    }
    %scan3A_7 = arith.constant 80 : i32
    %barrier3A_8 = arith.constant 0 : index
    tpu.barrier barrier_id(%barrier3A_8)
    %mul3A_9 = arith.constant 640 : i32
    %mul3A_10 = arith.muli %arg1, %mul3A_9 : i32
    %mul3A_11 = arith.constant 640 : i32
    %mul3A_12 = arith.muli %arg1, %mul3A_11 : i32
    "tpu.region"() ({
      %run_scoped3A = tpu.sem_alloc : memref<!tpu.dma_semaphore, #tpu.memory_space<semaphore_mem>>
      %dma_start3A = arith.constant 0 : i32
      %dma_start3A_13 = tpu.memref_slice %arg5[%arg0, %mul3A_12, %dma_start3A] : memref<2x10240x16xf32, #tpu.memory_space<hbm>> -> memref<1x640x16xf32, #tpu.memory_space<hbm>>
      %dma_start3A_14 = tpu.memref_squeeze %dma_start3A_13 : memref<1x640x16xf32, #tpu.memory_space<hbm>> -> memref<640x16xf32, #tpu.memory_space<hbm>>
      %dma_start3A_15 = arith.constant 0 : i32
      %dma_start3A_16 = tpu.memref_slice %arg8[%mul3A_10, %dma_start3A_15] : memref<10240x16xf32, #tpu.memory_space<vmem_shared>> -> memref<640x16xf32, #tpu.memory_space<vmem_shared>>
      tpu.enqueue_dma source(%dma_start3A_16 : memref<640x16xf32, #tpu.memory_space<vmem_shared>>) target(%dma_start3A_14 : memref<640x16xf32, #tpu.memory_space<hbm>>) target_semaphore(%run_scoped3A : memref<!tpu.dma_semaphore, #tpu.memory_space<semaphore_mem>>)
      %dma_wait3A = arith.constant 0 : i32
      %dma_wait3A_17 = tpu.memref_slice %arg5[%arg0, %mul3A_12, %dma_wait3A] : memref<2x10240x16xf32, #tpu.memory_space<hbm>> -> memref<1x640x16xf32, #tpu.memory_space<hbm>>
      %dma_wait3A_18 = tpu.memref_squeeze %dma_wait3A_17 : memref<1x640x16xf32, #tpu.memory_space<hbm>> -> memref<640x16xf32, #tpu.memory_space<hbm>>
      %dma_wait3A_19 = arith.constant 0 : i32
      %dma_wait3A_20 = tpu.memref_slice %arg8[%mul3A_10, %dma_wait3A_19] : memref<10240x16xf32, #tpu.memory_space<vmem_shared>> -> memref<640x16xf32, #tpu.memory_space<vmem_shared>>
      tpu.wait_dma2 semaphore(%run_scoped3A : memref<!tpu.dma_semaphore, #tpu.memory_space<semaphore_mem>>) src(%dma_wait3A_20 : memref<640x16xf32, #tpu.memory_space<vmem_shared>>) dst(%dma_wait3A_18 : memref<640x16xf32, #tpu.memory_space<hbm>>)
      tpu.yield
    }) : () -> ()
    return
  }
}

#map = affine_map<(d0, d1) -> (0, 0)>
#map1 = affine_map<(d0, d1) -> (0, 0, 0)>
module attributes {stable_mosaic.version = 14 : i64} {
  func.func @k(%arg0: i32, %arg1: i32, %arg2: memref<10000x40xf32, #tpu.memory_space<hbm>>, %arg3: memref<32x80x128xi32, #tpu.memory_space<hbm>>, %arg4: memref<32x80x128xi32, #tpu.memory_space<hbm>>, %arg5: memref<640x40xf32, #tpu.memory_space<hbm>>, %arg6: memref<2x10240x40xf32, #tpu.memory_space<hbm>>, %arg7: memref<80x128xi32, #tpu.memory_space<vmem>>, %arg8: memref<80x128xi32, #tpu.memory_space<vmem>>, %arg9: memref<4x128x40xf32, #tpu.memory_space<vmem>>, %arg10: memref<10240x40xf32, #tpu.memory_space<vmem_shared>>, %arg11: memref<4x!tpu.dma_semaphore, #tpu.memory_space<semaphore_mem>>) attributes {dimension_semantics = [#tpu.dimension_semantics<core_parallel>, #tpu.dimension_semantics<subcore_parallel>], iteration_bounds = array<i64: 2, 16>, scalar_prefetch = 0 : i64, scratch_operands = 5 : i64, tpu.core_type = #tpu.core_type<sc_vector_subcore>, window_params = [{transform_indices = #map}, {transform_indices = #map1}, {transform_indices = #map1}, {transform_indices = #map}, {transform_indices = #map1}]} {
    %mul3A = arith.constant 16 : i32
    %mul3A_0 = arith.muli %arg0, %mul3A : i32
    %add3A = arith.addi %mul3A_0, %arg1 : i32
    %mul3A_1 = arith.constant 640 : i32
    %mul3A_2 = arith.muli %arg1, %mul3A_1 : i32
    "tpu.region"() ({
      %run_scoped3A = tpu.sem_alloc : memref<!tpu.dma_semaphore, #tpu.memory_space<semaphore_mem>>
      %dma_start3A_72 = arith.constant 0 : i32
      %dma_start3A_73 = tpu.memref_slice %arg10[%mul3A_2, %dma_start3A_72] : memref<10240x40xf32, #tpu.memory_space<vmem_shared>> -> memref<640x40xf32, #tpu.memory_space<vmem_shared>>
      tpu.enqueue_dma source(%arg5 : memref<640x40xf32, #tpu.memory_space<hbm>>) target(%dma_start3A_73 : memref<640x40xf32, #tpu.memory_space<vmem_shared>>) target_semaphore(%run_scoped3A : memref<!tpu.dma_semaphore, #tpu.memory_space<semaphore_mem>>)
      %dma_wait3A = arith.constant 0 : i32
      %dma_wait3A_74 = tpu.memref_slice %arg10[%mul3A_2, %dma_wait3A] : memref<10240x40xf32, #tpu.memory_space<vmem_shared>> -> memref<640x40xf32, #tpu.memory_space<vmem_shared>>
      tpu.wait_dma2 semaphore(%run_scoped3A : memref<!tpu.dma_semaphore, #tpu.memory_space<semaphore_mem>>) src(%arg5 : memref<640x40xf32, #tpu.memory_space<hbm>>) dst(%dma_wait3A_74 : memref<640x40xf32, #tpu.memory_space<vmem_shared>>)
      tpu.yield
    }) : () -> ()
    "tpu.region"() ({
      %run_scoped3A = tpu.sem_alloc : memref<!tpu.dma_semaphore, #tpu.memory_space<semaphore_mem>>
      %dma_start3A_72 = arith.constant 0 : i32
      %dma_start3A_73 = arith.constant 0 : i32
      %dma_start3A_74 = tpu.memref_slice %arg3[%add3A, %dma_start3A_72, %dma_start3A_73] : memref<32x80x128xi32, #tpu.memory_space<hbm>> -> memref<1x80x128xi32, #tpu.memory_space<hbm>>
      %dma_start3A_75 = tpu.memref_squeeze %dma_start3A_74 : memref<1x80x128xi32, #tpu.memory_space<hbm>> -> memref<80x128xi32, #tpu.memory_space<hbm>>
      %dma_start3A_76 = arith.constant 0 : i32
      %dma_start3A_77 = arith.constant 0 : i32
      %dma_start3A_78 = tpu.memref_slice %arg3[%add3A, %dma_start3A_76, %dma_start3A_77] : memref<32x80x128xi32, #tpu.memory_space<hbm>> -> memref<1x80x128xi32, #tpu.memory_space<hbm>>
      %dma_start3A_79 = tpu.memref_squeeze %dma_start3A_78 : memref<1x80x128xi32, #tpu.memory_space<hbm>> -> memref<80x128xi32, #tpu.memory_space<hbm>>
      tpu.enqueue_dma source(%dma_start3A_79 : memref<80x128xi32, #tpu.memory_space<hbm>>) target(%arg7 : memref<80x128xi32, #tpu.memory_space<vmem>>) target_semaphore(%run_scoped3A : memref<!tpu.dma_semaphore, #tpu.memory_space<semaphore_mem>>)
      %dma_wait3A = arith.constant 0 : i32
      %dma_wait3A_80 = arith.constant 0 : i32
      %dma_wait3A_81 = tpu.memref_slice %arg3[%add3A, %dma_wait3A, %dma_wait3A_80] : memref<32x80x128xi32, #tpu.memory_space<hbm>> -> memref<1x80x128xi32, #tpu.memory_space<hbm>>
      %dma_wait3A_82 = tpu.memref_squeeze %dma_wait3A_81 : memref<1x80x128xi32, #tpu.memory_space<hbm>> -> memref<80x128xi32, #tpu.memory_space<hbm>>
      %dma_wait3A_83 = arith.constant 0 : i32
      %dma_wait3A_84 = arith.constant 0 : i32
      %dma_wait3A_85 = tpu.memref_slice %arg3[%add3A, %dma_wait3A_83, %dma_wait3A_84] : memref<32x80x128xi32, #tpu.memory_space<hbm>> -> memref<1x80x128xi32, #tpu.memory_space<hbm>>
      %dma_wait3A_86 = tpu.memref_squeeze %dma_wait3A_85 : memref<1x80x128xi32, #tpu.memory_space<hbm>> -> memref<80x128xi32, #tpu.memory_space<hbm>>
      tpu.wait_dma2 semaphore(%run_scoped3A : memref<!tpu.dma_semaphore, #tpu.memory_space<semaphore_mem>>) src(%dma_wait3A_86 : memref<80x128xi32, #tpu.memory_space<hbm>>) dst(%arg7 : memref<80x128xi32, #tpu.memory_space<vmem>>)
      tpu.yield
    }) : () -> ()
    "tpu.region"() ({
      %run_scoped3A = tpu.sem_alloc : memref<!tpu.dma_semaphore, #tpu.memory_space<semaphore_mem>>
      %dma_start3A_72 = arith.constant 0 : i32
      %dma_start3A_73 = arith.constant 0 : i32
      %dma_start3A_74 = tpu.memref_slice %arg4[%add3A, %dma_start3A_72, %dma_start3A_73] : memref<32x80x128xi32, #tpu.memory_space<hbm>> -> memref<1x80x128xi32, #tpu.memory_space<hbm>>
      %dma_start3A_75 = tpu.memref_squeeze %dma_start3A_74 : memref<1x80x128xi32, #tpu.memory_space<hbm>> -> memref<80x128xi32, #tpu.memory_space<hbm>>
      %dma_start3A_76 = arith.constant 0 : i32
      %dma_start3A_77 = arith.constant 0 : i32
      %dma_start3A_78 = tpu.memref_slice %arg4[%add3A, %dma_start3A_76, %dma_start3A_77] : memref<32x80x128xi32, #tpu.memory_space<hbm>> -> memref<1x80x128xi32, #tpu.memory_space<hbm>>
      %dma_start3A_79 = tpu.memref_squeeze %dma_start3A_78 : memref<1x80x128xi32, #tpu.memory_space<hbm>> -> memref<80x128xi32, #tpu.memory_space<hbm>>
      tpu.enqueue_dma source(%dma_start3A_79 : memref<80x128xi32, #tpu.memory_space<hbm>>) target(%arg8 : memref<80x128xi32, #tpu.memory_space<vmem>>) target_semaphore(%run_scoped3A : memref<!tpu.dma_semaphore, #tpu.memory_space<semaphore_mem>>)
      %dma_wait3A = arith.constant 0 : i32
      %dma_wait3A_80 = arith.constant 0 : i32
      %dma_wait3A_81 = tpu.memref_slice %arg4[%add3A, %dma_wait3A, %dma_wait3A_80] : memref<32x80x128xi32, #tpu.memory_space<hbm>> -> memref<1x80x128xi32, #tpu.memory_space<hbm>>
      %dma_wait3A_82 = tpu.memref_squeeze %dma_wait3A_81 : memref<1x80x128xi32, #tpu.memory_space<hbm>> -> memref<80x128xi32, #tpu.memory_space<hbm>>
      %dma_wait3A_83 = arith.constant 0 : i32
      %dma_wait3A_84 = arith.constant 0 : i32
      %dma_wait3A_85 = tpu.memref_slice %arg4[%add3A, %dma_wait3A_83, %dma_wait3A_84] : memref<32x80x128xi32, #tpu.memory_space<hbm>> -> memref<1x80x128xi32, #tpu.memory_space<hbm>>
      %dma_wait3A_86 = tpu.memref_squeeze %dma_wait3A_85 : memref<1x80x128xi32, #tpu.memory_space<hbm>> -> memref<80x128xi32, #tpu.memory_space<hbm>>
      tpu.wait_dma2 semaphore(%run_scoped3A : memref<!tpu.dma_semaphore, #tpu.memory_space<semaphore_mem>>) src(%dma_wait3A_86 : memref<80x128xi32, #tpu.memory_space<hbm>>) dst(%arg8 : memref<80x128xi32, #tpu.memory_space<vmem>>)
      tpu.yield
    }) : () -> ()
    %barrier3A = arith.constant 0 : index
    tpu.barrier barrier_id(%barrier3A)
    %dma_start3A = arith.constant 0 : i32
    %dma_start3A_3 = arith.constant 0 : i32
    %dma_start3A_4 = arith.constant 0 : i32
    %dma_start3A_5 = arith.constant 0 : i32
    %dma_start3A_6 = arith.constant 0 : i32
    %dma_start3A_7 = tpu.memref_slice %arg9[%dma_start3A_3, %dma_start3A_5, %dma_start3A_6] : memref<4x128x40xf32, #tpu.memory_space<vmem>> -> memref<1x128x40xf32, #tpu.memory_space<vmem>>
    %dma_start3A_8 = tpu.memref_squeeze %dma_start3A_7 : memref<1x128x40xf32, #tpu.memory_space<vmem>> -> memref<128x40xf32, #tpu.memory_space<vmem>>
    %dma_start3A_9 = arith.constant 0 : i32
    %dma_start3A_10 = tpu.memref_slice %arg7[%dma_start3A, %dma_start3A_9] : memref<80x128xi32, #tpu.memory_space<vmem>> -> memref<1x128xi32, #tpu.memory_space<vmem>>
    %dma_start3A_11 = tpu.memref_squeeze %dma_start3A_10 : memref<1x128xi32, #tpu.memory_space<vmem>> -> memref<128xi32, #tpu.memory_space<vmem>>
    %dma_start3A_12 = arith.constant 0 : i32
    %dma_start3A_13 = arith.constant 0 : i32
    %dma_start3A_14 = tpu.memref_slice %arg2[%dma_start3A_12, %dma_start3A_13] : memref<10000x40xf32, #tpu.memory_space<hbm>> -> memref<10000x40xf32, #tpu.memory_space<hbm>>
    %dma_start3A_15 = tpu.memref_slice %arg11[%dma_start3A_4] : memref<4x!tpu.dma_semaphore, #tpu.memory_space<semaphore_mem>> -> memref<1x!tpu.dma_semaphore, #tpu.memory_space<semaphore_mem>>
    %dma_start3A_16 = tpu.memref_squeeze %dma_start3A_15 : memref<1x!tpu.dma_semaphore, #tpu.memory_space<semaphore_mem>> -> memref<!tpu.dma_semaphore, #tpu.memory_space<semaphore_mem>>
    tpu.enqueue_indirect_dma source(%dma_start3A_14 : memref<10000x40xf32, #tpu.memory_space<hbm>>) target(%dma_start3A_8 : memref<128x40xf32, #tpu.memory_space<vmem>>) offsets(%dma_start3A_11 : memref<128xi32, #tpu.memory_space<vmem>>) semaphore(%dma_start3A_16 : memref<!tpu.dma_semaphore, #tpu.memory_space<semaphore_mem>>)
    %dma_start3A_17 = arith.constant 1 : i32
    %dma_start3A_18 = arith.constant 1 : i32
    %dma_start3A_19 = arith.constant 1 : i32
    %dma_start3A_20 = arith.constant 0 : i32
    %dma_start3A_21 = arith.constant 0 : i32
    %dma_start3A_22 = tpu.memref_slice %arg9[%dma_start3A_18, %dma_start3A_20, %dma_start3A_21] : memref<4x128x40xf32, #tpu.memory_space<vmem>> -> memref<1x128x40xf32, #tpu.memory_space<vmem>>
    %dma_start3A_23 = tpu.memref_squeeze %dma_start3A_22 : memref<1x128x40xf32, #tpu.memory_space<vmem>> -> memref<128x40xf32, #tpu.memory_space<vmem>>
    %dma_start3A_24 = arith.constant 0 : i32
    %dma_start3A_25 = tpu.memref_slice %arg7[%dma_start3A_17, %dma_start3A_24] : memref<80x128xi32, #tpu.memory_space<vmem>> -> memref<1x128xi32, #tpu.memory_space<vmem>>
    %dma_start3A_26 = tpu.memref_squeeze %dma_start3A_25 : memref<1x128xi32, #tpu.memory_space<vmem>> -> memref<128xi32, #tpu.memory_space<vmem>>
    %dma_start3A_27 = arith.constant 0 : i32
    %dma_start3A_28 = arith.constant 0 : i32
    %dma_start3A_29 = tpu.memref_slice %arg2[%dma_start3A_27, %dma_start3A_28] : memref<10000x40xf32, #tpu.memory_space<hbm>> -> memref<10000x40xf32, #tpu.memory_space<hbm>>
    %dma_start3A_30 = tpu.memref_slice %arg11[%dma_start3A_19] : memref<4x!tpu.dma_semaphore, #tpu.memory_space<semaphore_mem>> -> memref<1x!tpu.dma_semaphore, #tpu.memory_space<semaphore_mem>>
    %dma_start3A_31 = tpu.memref_squeeze %dma_start3A_30 : memref<1x!tpu.dma_semaphore, #tpu.memory_space<semaphore_mem>> -> memref<!tpu.dma_semaphore, #tpu.memory_space<semaphore_mem>>
    tpu.enqueue_indirect_dma source(%dma_start3A_29 : memref<10000x40xf32, #tpu.memory_space<hbm>>) target(%dma_start3A_23 : memref<128x40xf32, #tpu.memory_space<vmem>>) offsets(%dma_start3A_26 : memref<128xi32, #tpu.memory_space<vmem>>) semaphore(%dma_start3A_31 : memref<!tpu.dma_semaphore, #tpu.memory_space<semaphore_mem>>)
    %dma_start3A_32 = arith.constant 2 : i32
    %dma_start3A_33 = arith.constant 2 : i32
    %dma_start3A_34 = arith.constant 2 : i32
    %dma_start3A_35 = arith.constant 0 : i32
    %dma_start3A_36 = arith.constant 0 : i32
    %dma_start3A_37 = tpu.memref_slice %arg9[%dma_start3A_33, %dma_start3A_35, %dma_start3A_36] : memref<4x128x40xf32, #tpu.memory_space<vmem>> -> memref<1x128x40xf32, #tpu.memory_space<vmem>>
    %dma_start3A_38 = tpu.memref_squeeze %dma_start3A_37 : memref<1x128x40xf32, #tpu.memory_space<vmem>> -> memref<128x40xf32, #tpu.memory_space<vmem>>
    %dma_start3A_39 = arith.constant 0 : i32
    %dma_start3A_40 = tpu.memref_slice %arg7[%dma_start3A_32, %dma_start3A_39] : memref<80x128xi32, #tpu.memory_space<vmem>> -> memref<1x128xi32, #tpu.memory_space<vmem>>
    %dma_start3A_41 = tpu.memref_squeeze %dma_start3A_40 : memref<1x128xi32, #tpu.memory_space<vmem>> -> memref<128xi32, #tpu.memory_space<vmem>>
    %dma_start3A_42 = arith.constant 0 : i32
    %dma_start3A_43 = arith.constant 0 : i32
    %dma_start3A_44 = tpu.memref_slice %arg2[%dma_start3A_42, %dma_start3A_43] : memref<10000x40xf32, #tpu.memory_space<hbm>> -> memref<10000x40xf32, #tpu.memory_space<hbm>>
    %dma_start3A_45 = tpu.memref_slice %arg11[%dma_start3A_34] : memref<4x!tpu.dma_semaphore, #tpu.memory_space<semaphore_mem>> -> memref<1x!tpu.dma_semaphore, #tpu.memory_space<semaphore_mem>>
    %dma_start3A_46 = tpu.memref_squeeze %dma_start3A_45 : memref<1x!tpu.dma_semaphore, #tpu.memory_space<semaphore_mem>> -> memref<!tpu.dma_semaphore, #tpu.memory_space<semaphore_mem>>
    tpu.enqueue_indirect_dma source(%dma_start3A_44 : memref<10000x40xf32, #tpu.memory_space<hbm>>) target(%dma_start3A_38 : memref<128x40xf32, #tpu.memory_space<vmem>>) offsets(%dma_start3A_41 : memref<128xi32, #tpu.memory_space<vmem>>) semaphore(%dma_start3A_46 : memref<!tpu.dma_semaphore, #tpu.memory_space<semaphore_mem>>)
    %dma_start3A_47 = arith.constant 3 : i32
    %dma_start3A_48 = arith.constant 3 : i32
    %dma_start3A_49 = arith.constant 3 : i32
    %dma_start3A_50 = arith.constant 0 : i32
    %dma_start3A_51 = arith.constant 0 : i32
    %dma_start3A_52 = tpu.memref_slice %arg9[%dma_start3A_48, %dma_start3A_50, %dma_start3A_51] : memref<4x128x40xf32, #tpu.memory_space<vmem>> -> memref<1x128x40xf32, #tpu.memory_space<vmem>>
    %dma_start3A_53 = tpu.memref_squeeze %dma_start3A_52 : memref<1x128x40xf32, #tpu.memory_space<vmem>> -> memref<128x40xf32, #tpu.memory_space<vmem>>
    %dma_start3A_54 = arith.constant 0 : i32
    %dma_start3A_55 = tpu.memref_slice %arg7[%dma_start3A_47, %dma_start3A_54] : memref<80x128xi32, #tpu.memory_space<vmem>> -> memref<1x128xi32, #tpu.memory_space<vmem>>
    %dma_start3A_56 = tpu.memref_squeeze %dma_start3A_55 : memref<1x128xi32, #tpu.memory_space<vmem>> -> memref<128xi32, #tpu.memory_space<vmem>>
    %dma_start3A_57 = arith.constant 0 : i32
    %dma_start3A_58 = arith.constant 0 : i32
    %dma_start3A_59 = tpu.memref_slice %arg2[%dma_start3A_57, %dma_start3A_58] : memref<10000x40xf32, #tpu.memory_space<hbm>> -> memref<10000x40xf32, #tpu.memory_space<hbm>>
    %dma_start3A_60 = tpu.memref_slice %arg11[%dma_start3A_49] : memref<4x!tpu.dma_semaphore, #tpu.memory_space<semaphore_mem>> -> memref<1x!tpu.dma_semaphore, #tpu.memory_space<semaphore_mem>>
    %dma_start3A_61 = tpu.memref_squeeze %dma_start3A_60 : memref<1x!tpu.dma_semaphore, #tpu.memory_space<semaphore_mem>> -> memref<!tpu.dma_semaphore, #tpu.memory_space<semaphore_mem>>
    tpu.enqueue_indirect_dma source(%dma_start3A_59 : memref<10000x40xf32, #tpu.memory_space<hbm>>) target(%dma_start3A_53 : memref<128x40xf32, #tpu.memory_space<vmem>>) offsets(%dma_start3A_56 : memref<128xi32, #tpu.memory_space<vmem>>) semaphore(%dma_start3A_61 : memref<!tpu.dma_semaphore, #tpu.memory_space<semaphore_mem>>)
    %scan3A = arith.constant 0 : i32
    %scan3A_62 = arith.constant 0 : i32
    %scan3A_63 = arith.constant 20 : i32
    %scan3A_64 = arith.addi %scan3A_62, %scan3A_63 : i32
    %scan3A_65 = arith.constant 1 : i32
    scf.for %scan3A_72 = %scan3A_62 to %scan3A_64 step %scan3A_65  : i32 {
      %mul3A_73 = arith.constant 4 : i32
      %mul3A_74 = arith.muli %scan3A_72, %mul3A_73 : i32
      %add3A_75 = arith.constant 0 : i32
      %add3A_76 = arith.addi %mul3A_74, %add3A_75 : i32
      %dma_wait3A = arith.constant 0 : i32
      %dma_wait3A_77 = arith.constant 0 : i32
      %dma_wait3A_78 = arith.constant 0 : i32
      %dma_wait3A_79 = arith.constant 0 : i32
      %dma_wait3A_80 = tpu.memref_slice %arg9[%dma_wait3A, %dma_wait3A_78, %dma_wait3A_79] : memref<4x128x40xf32, #tpu.memory_space<vmem>> -> memref<1x128x40xf32, #tpu.memory_space<vmem>>
      %dma_wait3A_81 = tpu.memref_squeeze %dma_wait3A_80 : memref<1x128x40xf32, #tpu.memory_space<vmem>> -> memref<128x40xf32, #tpu.memory_space<vmem>>
      %dma_wait3A_82 = arith.constant 0 : i32
      %dma_wait3A_83 = tpu.memref_slice %arg7[%add3A_76, %dma_wait3A_82] : memref<80x128xi32, #tpu.memory_space<vmem>> -> memref<1x128xi32, #tpu.memory_space<vmem>>
      %dma_wait3A_84 = tpu.memref_squeeze %dma_wait3A_83 : memref<1x128xi32, #tpu.memory_space<vmem>> -> memref<128xi32, #tpu.memory_space<vmem>>
      %dma_wait3A_85 = arith.constant 0 : i32
      %dma_wait3A_86 = arith.constant 0 : i32
      %dma_wait3A_87 = tpu.memref_slice %arg2[%dma_wait3A_85, %dma_wait3A_86] : memref<10000x40xf32, #tpu.memory_space<hbm>> -> memref<10000x40xf32, #tpu.memory_space<hbm>>
      %dma_wait3A_88 = tpu.memref_slice %arg11[%dma_wait3A_77] : memref<4x!tpu.dma_semaphore, #tpu.memory_space<semaphore_mem>> -> memref<1x!tpu.dma_semaphore, #tpu.memory_space<semaphore_mem>>
      %dma_wait3A_89 = tpu.memref_squeeze %dma_wait3A_88 : memref<1x!tpu.dma_semaphore, #tpu.memory_space<semaphore_mem>> -> memref<!tpu.dma_semaphore, #tpu.memory_space<semaphore_mem>>
      tpu.wait_indirect_dma semaphore(%dma_wait3A_89 : memref<!tpu.dma_semaphore, #tpu.memory_space<semaphore_mem>>) src(%dma_wait3A_87 : memref<10000x40xf32, #tpu.memory_space<hbm>>) dst(%dma_wait3A_81 : memref<128x40xf32, #tpu.memory_space<vmem>>)
      %run_scoped3A = arith.constant 0 : i32
      "tpu.region"() ({
        %run_scoped3A_164 = tpu.sem_alloc : memref<!tpu.dma_semaphore, #tpu.memory_space<semaphore_mem>>
        %dma_start3A_165 = arith.constant 0 : i32
        %dma_start3A_166 = arith.constant 0 : i32
        %dma_start3A_167 = tpu.memref_slice %arg9[%run_scoped3A, %dma_start3A_165, %dma_start3A_166] : memref<4x128x40xf32, #tpu.memory_space<vmem>> -> memref<1x128x40xf32, #tpu.memory_space<vmem>>
        %dma_start3A_168 = tpu.memref_squeeze %dma_start3A_167 : memref<1x128x40xf32, #tpu.memory_space<vmem>> -> memref<128x40xf32, #tpu.memory_space<vmem>>
        %dma_start3A_169 = arith.constant 0 : i32
        %dma_start3A_170 = tpu.memref_slice %arg8[%add3A_76, %dma_start3A_169] : memref<80x128xi32, #tpu.memory_space<vmem>> -> memref<1x128xi32, #tpu.memory_space<vmem>>
        %dma_start3A_171 = tpu.memref_squeeze %dma_start3A_170 : memref<1x128xi32, #tpu.memory_space<vmem>> -> memref<128xi32, #tpu.memory_space<vmem>>
        %dma_start3A_172 = arith.constant 0 : i32
        %dma_start3A_173 = arith.constant 0 : i32
        %dma_start3A_174 = tpu.memref_slice %arg10[%dma_start3A_172, %dma_start3A_173] : memref<10240x40xf32, #tpu.memory_space<vmem_shared>> -> memref<10240x40xf32, #tpu.memory_space<vmem_shared>>
        tpu.enqueue_indirect_dma source(%dma_start3A_168 : memref<128x40xf32, #tpu.memory_space<vmem>>) target(%dma_start3A_174 : memref<10240x40xf32, #tpu.memory_space<vmem_shared>>) offsets(%dma_start3A_171 : memref<128xi32, #tpu.memory_space<vmem>>) semaphore(%run_scoped3A_164 : memref<!tpu.dma_semaphore, #tpu.memory_space<semaphore_mem>>) {add = true}
        %dma_wait3A_175 = arith.constant 0 : i32
        %dma_wait3A_176 = arith.constant 0 : i32
        %dma_wait3A_177 = tpu.memref_slice %arg9[%run_scoped3A, %dma_wait3A_175, %dma_wait3A_176] : memref<4x128x40xf32, #tpu.memory_space<vmem>> -> memref<1x128x40xf32, #tpu.memory_space<vmem>>
        %dma_wait3A_178 = tpu.memref_squeeze %dma_wait3A_177 : memref<1x128x40xf32, #tpu.memory_space<vmem>> -> memref<128x40xf32, #tpu.memory_space<vmem>>
        %dma_wait3A_179 = arith.constant 0 : i32
        %dma_wait3A_180 = tpu.memref_slice %arg8[%add3A_76, %dma_wait3A_179] : memref<80x128xi32, #tpu.memory_space<vmem>> -> memref<1x128xi32, #tpu.memory_space<vmem>>
        %dma_wait3A_181 = tpu.memref_squeeze %dma_wait3A_180 : memref<1x128xi32, #tpu.memory_space<vmem>> -> memref<128xi32, #tpu.memory_space<vmem>>
        %dma_wait3A_182 = arith.constant 0 : i32
        %dma_wait3A_183 = arith.constant 0 : i32
        %dma_wait3A_184 = tpu.memref_slice %arg10[%dma_wait3A_182, %dma_wait3A_183] : memref<10240x40xf32, #tpu.memory_space<vmem_shared>> -> memref<10240x40xf32, #tpu.memory_space<vmem_shared>>
        tpu.wait_indirect_dma semaphore(%run_scoped3A_164 : memref<!tpu.dma_semaphore, #tpu.memory_space<semaphore_mem>>) src(%dma_wait3A_178 : memref<128x40xf32, #tpu.memory_space<vmem>>) dst(%dma_wait3A_184 : memref<10240x40xf32, #tpu.memory_space<vmem_shared>>)
        tpu.yield
      }) : () -> ()
      %lt3A = arith.constant 19 : i32
      %lt3A_90 = arith.cmpi slt, %scan3A_72, %lt3A : i32
      %convert_element_type3A = arith.extui %lt3A_90 : i1 to i32
      %cond3A = arith.constant 0 : i32
      %cond3A_91 = arith.cmpi ne, %convert_element_type3A, %cond3A : i32
      scf.if %cond3A_91 {
        %add3A_164 = arith.constant 4 : i32
        %add3A_165 = arith.addi %add3A_76, %add3A_164 : i32
        %dma_start3A_166 = arith.constant 0 : i32
        %dma_start3A_167 = arith.constant 0 : i32
        %dma_start3A_168 = arith.constant 0 : i32
        %dma_start3A_169 = arith.constant 0 : i32
        %dma_start3A_170 = tpu.memref_slice %arg9[%dma_start3A_166, %dma_start3A_168, %dma_start3A_169] : memref<4x128x40xf32, #tpu.memory_space<vmem>> -> memref<1x128x40xf32, #tpu.memory_space<vmem>>
        %dma_start3A_171 = tpu.memref_squeeze %dma_start3A_170 : memref<1x128x40xf32, #tpu.memory_space<vmem>> -> memref<128x40xf32, #tpu.memory_space<vmem>>
        %dma_start3A_172 = arith.constant 0 : i32
        %dma_start3A_173 = tpu.memref_slice %arg7[%add3A_165, %dma_start3A_172] : memref<80x128xi32, #tpu.memory_space<vmem>> -> memref<1x128xi32, #tpu.memory_space<vmem>>
        %dma_start3A_174 = tpu.memref_squeeze %dma_start3A_173 : memref<1x128xi32, #tpu.memory_space<vmem>> -> memref<128xi32, #tpu.memory_space<vmem>>
        %dma_start3A_175 = arith.constant 0 : i32
        %dma_start3A_176 = arith.constant 0 : i32
        %dma_start3A_177 = tpu.memref_slice %arg2[%dma_start3A_175, %dma_start3A_176] : memref<10000x40xf32, #tpu.memory_space<hbm>> -> memref<10000x40xf32, #tpu.memory_space<hbm>>
        %dma_start3A_178 = tpu.memref_slice %arg11[%dma_start3A_167] : memref<4x!tpu.dma_semaphore, #tpu.memory_space<semaphore_mem>> -> memref<1x!tpu.dma_semaphore, #tpu.memory_space<semaphore_mem>>
        %dma_start3A_179 = tpu.memref_squeeze %dma_start3A_178 : memref<1x!tpu.dma_semaphore, #tpu.memory_space<semaphore_mem>> -> memref<!tpu.dma_semaphore, #tpu.memory_space<semaphore_mem>>
        tpu.enqueue_indirect_dma source(%dma_start3A_177 : memref<10000x40xf32, #tpu.memory_space<hbm>>) target(%dma_start3A_171 : memref<128x40xf32, #tpu.memory_space<vmem>>) offsets(%dma_start3A_174 : memref<128xi32, #tpu.memory_space<vmem>>) semaphore(%dma_start3A_179 : memref<!tpu.dma_semaphore, #tpu.memory_space<semaphore_mem>>)
      } else {
      }
      %mul3A_92 = arith.constant 4 : i32
      %mul3A_93 = arith.muli %scan3A_72, %mul3A_92 : i32
      %add3A_94 = arith.constant 1 : i32
      %add3A_95 = arith.addi %mul3A_93, %add3A_94 : i32
      %dma_wait3A_96 = arith.constant 1 : i32
      %dma_wait3A_97 = arith.constant 1 : i32
      %dma_wait3A_98 = arith.constant 0 : i32
      %dma_wait3A_99 = arith.constant 0 : i32
      %dma_wait3A_100 = tpu.memref_slice %arg9[%dma_wait3A_96, %dma_wait3A_98, %dma_wait3A_99] : memref<4x128x40xf32, #tpu.memory_space<vmem>> -> memref<1x128x40xf32, #tpu.memory_space<vmem>>
      %dma_wait3A_101 = tpu.memref_squeeze %dma_wait3A_100 : memref<1x128x40xf32, #tpu.memory_space<vmem>> -> memref<128x40xf32, #tpu.memory_space<vmem>>
      %dma_wait3A_102 = arith.constant 0 : i32
      %dma_wait3A_103 = tpu.memref_slice %arg7[%add3A_95, %dma_wait3A_102] : memref<80x128xi32, #tpu.memory_space<vmem>> -> memref<1x128xi32, #tpu.memory_space<vmem>>
      %dma_wait3A_104 = tpu.memref_squeeze %dma_wait3A_103 : memref<1x128xi32, #tpu.memory_space<vmem>> -> memref<128xi32, #tpu.memory_space<vmem>>
      %dma_wait3A_105 = arith.constant 0 : i32
      %dma_wait3A_106 = arith.constant 0 : i32
      %dma_wait3A_107 = tpu.memref_slice %arg2[%dma_wait3A_105, %dma_wait3A_106] : memref<10000x40xf32, #tpu.memory_space<hbm>> -> memref<10000x40xf32, #tpu.memory_space<hbm>>
      %dma_wait3A_108 = tpu.memref_slice %arg11[%dma_wait3A_97] : memref<4x!tpu.dma_semaphore, #tpu.memory_space<semaphore_mem>> -> memref<1x!tpu.dma_semaphore, #tpu.memory_space<semaphore_mem>>
      %dma_wait3A_109 = tpu.memref_squeeze %dma_wait3A_108 : memref<1x!tpu.dma_semaphore, #tpu.memory_space<semaphore_mem>> -> memref<!tpu.dma_semaphore, #tpu.memory_space<semaphore_mem>>
      tpu.wait_indirect_dma semaphore(%dma_wait3A_109 : memref<!tpu.dma_semaphore, #tpu.memory_space<semaphore_mem>>) src(%dma_wait3A_107 : memref<10000x40xf32, #tpu.memory_space<hbm>>) dst(%dma_wait3A_101 : memref<128x40xf32, #tpu.memory_space<vmem>>)
      %run_scoped3A_110 = arith.constant 1 : i32
      "tpu.region"() ({
        %run_scoped3A_164 = tpu.sem_alloc : memref<!tpu.dma_semaphore, #tpu.memory_space<semaphore_mem>>
        %dma_start3A_165 = arith.constant 0 : i32
        %dma_start3A_166 = arith.constant 0 : i32
        %dma_start3A_167 = tpu.memref_slice %arg9[%run_scoped3A_110, %dma_start3A_165, %dma_start3A_166] : memref<4x128x40xf32, #tpu.memory_space<vmem>> -> memref<1x128x40xf32, #tpu.memory_space<vmem>>
        %dma_start3A_168 = tpu.memref_squeeze %dma_start3A_167 : memref<1x128x40xf32, #tpu.memory_space<vmem>> -> memref<128x40xf32, #tpu.memory_space<vmem>>
        %dma_start3A_169 = arith.constant 0 : i32
        %dma_start3A_170 = tpu.memref_slice %arg8[%add3A_95, %dma_start3A_169] : memref<80x128xi32, #tpu.memory_space<vmem>> -> memref<1x128xi32, #tpu.memory_space<vmem>>
        %dma_start3A_171 = tpu.memref_squeeze %dma_start3A_170 : memref<1x128xi32, #tpu.memory_space<vmem>> -> memref<128xi32, #tpu.memory_space<vmem>>
        %dma_start3A_172 = arith.constant 0 : i32
        %dma_start3A_173 = arith.constant 0 : i32
        %dma_start3A_174 = tpu.memref_slice %arg10[%dma_start3A_172, %dma_start3A_173] : memref<10240x40xf32, #tpu.memory_space<vmem_shared>> -> memref<10240x40xf32, #tpu.memory_space<vmem_shared>>
        tpu.enqueue_indirect_dma source(%dma_start3A_168 : memref<128x40xf32, #tpu.memory_space<vmem>>) target(%dma_start3A_174 : memref<10240x40xf32, #tpu.memory_space<vmem_shared>>) offsets(%dma_start3A_171 : memref<128xi32, #tpu.memory_space<vmem>>) semaphore(%run_scoped3A_164 : memref<!tpu.dma_semaphore, #tpu.memory_space<semaphore_mem>>) {add = true}
        %dma_wait3A_175 = arith.constant 0 : i32
        %dma_wait3A_176 = arith.constant 0 : i32
        %dma_wait3A_177 = tpu.memref_slice %arg9[%run_scoped3A_110, %dma_wait3A_175, %dma_wait3A_176] : memref<4x128x40xf32, #tpu.memory_space<vmem>> -> memref<1x128x40xf32, #tpu.memory_space<vmem>>
        %dma_wait3A_178 = tpu.memref_squeeze %dma_wait3A_177 : memref<1x128x40xf32, #tpu.memory_space<vmem>> -> memref<128x40xf32, #tpu.memory_space<vmem>>
        %dma_wait3A_179 = arith.constant 0 : i32
        %dma_wait3A_180 = tpu.memref_slice %arg8[%add3A_95, %dma_wait3A_179] : memref<80x128xi32, #tpu.memory_space<vmem>> -> memref<1x128xi32, #tpu.memory_space<vmem>>
        %dma_wait3A_181 = tpu.memref_squeeze %dma_wait3A_180 : memref<1x128xi32, #tpu.memory_space<vmem>> -> memref<128xi32, #tpu.memory_space<vmem>>
        %dma_wait3A_182 = arith.constant 0 : i32
        %dma_wait3A_183 = arith.constant 0 : i32
        %dma_wait3A_184 = tpu.memref_slice %arg10[%dma_wait3A_182, %dma_wait3A_183] : memref<10240x40xf32, #tpu.memory_space<vmem_shared>> -> memref<10240x40xf32, #tpu.memory_space<vmem_shared>>
        tpu.wait_indirect_dma semaphore(%run_scoped3A_164 : memref<!tpu.dma_semaphore, #tpu.memory_space<semaphore_mem>>) src(%dma_wait3A_178 : memref<128x40xf32, #tpu.memory_space<vmem>>) dst(%dma_wait3A_184 : memref<10240x40xf32, #tpu.memory_space<vmem_shared>>)
        tpu.yield
      }) : () -> ()
      %lt3A_111 = arith.constant 19 : i32
      %lt3A_112 = arith.cmpi slt, %scan3A_72, %lt3A_111 : i32
      %convert_element_type3A_113 = arith.extui %lt3A_112 : i1 to i32
      %cond3A_114 = arith.constant 0 : i32
      %cond3A_115 = arith.cmpi ne, %convert_element_type3A_113, %cond3A_114 : i32
      scf.if %cond3A_115 {
        %add3A_164 = arith.constant 4 : i32
        %add3A_165 = arith.addi %add3A_95, %add3A_164 : i32
        %dma_start3A_166 = arith.constant 1 : i32
        %dma_start3A_167 = arith.constant 1 : i32
        %dma_start3A_168 = arith.constant 0 : i32
        %dma_start3A_169 = arith.constant 0 : i32
        %dma_start3A_170 = tpu.memref_slice %arg9[%dma_start3A_166, %dma_start3A_168, %dma_start3A_169] : memref<4x128x40xf32, #tpu.memory_space<vmem>> -> memref<1x128x40xf32, #tpu.memory_space<vmem>>
        %dma_start3A_171 = tpu.memref_squeeze %dma_start3A_170 : memref<1x128x40xf32, #tpu.memory_space<vmem>> -> memref<128x40xf32, #tpu.memory_space<vmem>>
        %dma_start3A_172 = arith.constant 0 : i32
        %dma_start3A_173 = tpu.memref_slice %arg7[%add3A_165, %dma_start3A_172] : memref<80x128xi32, #tpu.memory_space<vmem>> -> memref<1x128xi32, #tpu.memory_space<vmem>>
        %dma_start3A_174 = tpu.memref_squeeze %dma_start3A_173 : memref<1x128xi32, #tpu.memory_space<vmem>> -> memref<128xi32, #tpu.memory_space<vmem>>
        %dma_start3A_175 = arith.constant 0 : i32
        %dma_start3A_176 = arith.constant 0 : i32
        %dma_start3A_177 = tpu.memref_slice %arg2[%dma_start3A_175, %dma_start3A_176] : memref<10000x40xf32, #tpu.memory_space<hbm>> -> memref<10000x40xf32, #tpu.memory_space<hbm>>
        %dma_start3A_178 = tpu.memref_slice %arg11[%dma_start3A_167] : memref<4x!tpu.dma_semaphore, #tpu.memory_space<semaphore_mem>> -> memref<1x!tpu.dma_semaphore, #tpu.memory_space<semaphore_mem>>
        %dma_start3A_179 = tpu.memref_squeeze %dma_start3A_178 : memref<1x!tpu.dma_semaphore, #tpu.memory_space<semaphore_mem>> -> memref<!tpu.dma_semaphore, #tpu.memory_space<semaphore_mem>>
        tpu.enqueue_indirect_dma source(%dma_start3A_177 : memref<10000x40xf32, #tpu.memory_space<hbm>>) target(%dma_start3A_171 : memref<128x40xf32, #tpu.memory_space<vmem>>) offsets(%dma_start3A_174 : memref<128xi32, #tpu.memory_space<vmem>>) semaphore(%dma_start3A_179 : memref<!tpu.dma_semaphore, #tpu.memory_space<semaphore_mem>>)
      } else {
      }
      %mul3A_116 = arith.constant 4 : i32
      %mul3A_117 = arith.muli %scan3A_72, %mul3A_116 : i32
      %add3A_118 = arith.constant 2 : i32
      %add3A_119 = arith.addi %mul3A_117, %add3A_118 : i32
      %dma_wait3A_120 = arith.constant 2 : i32
      %dma_wait3A_121 = arith.constant 2 : i32
      %dma_wait3A_122 = arith.constant 0 : i32
      %dma_wait3A_123 = arith.constant 0 : i32
      %dma_wait3A_124 = tpu.memref_slice %arg9[%dma_wait3A_120, %dma_wait3A_122, %dma_wait3A_123] : memref<4x128x40xf32, #tpu.memory_space<vmem>> -> memref<1x128x40xf32, #tpu.memory_space<vmem>>
      %dma_wait3A_125 = tpu.memref_squeeze %dma_wait3A_124 : memref<1x128x40xf32, #tpu.memory_space<vmem>> -> memref<128x40xf32, #tpu.memory_space<vmem>>
      %dma_wait3A_126 = arith.constant 0 : i32
      %dma_wait3A_127 = tpu.memref_slice %arg7[%add3A_119, %dma_wait3A_126] : memref<80x128xi32, #tpu.memory_space<vmem>> -> memref<1x128xi32, #tpu.memory_space<vmem>>
      %dma_wait3A_128 = tpu.memref_squeeze %dma_wait3A_127 : memref<1x128xi32, #tpu.memory_space<vmem>> -> memref<128xi32, #tpu.memory_space<vmem>>
      %dma_wait3A_129 = arith.constant 0 : i32
      %dma_wait3A_130 = arith.constant 0 : i32
      %dma_wait3A_131 = tpu.memref_slice %arg2[%dma_wait3A_129, %dma_wait3A_130] : memref<10000x40xf32, #tpu.memory_space<hbm>> -> memref<10000x40xf32, #tpu.memory_space<hbm>>
      %dma_wait3A_132 = tpu.memref_slice %arg11[%dma_wait3A_121] : memref<4x!tpu.dma_semaphore, #tpu.memory_space<semaphore_mem>> -> memref<1x!tpu.dma_semaphore, #tpu.memory_space<semaphore_mem>>
      %dma_wait3A_133 = tpu.memref_squeeze %dma_wait3A_132 : memref<1x!tpu.dma_semaphore, #tpu.memory_space<semaphore_mem>> -> memref<!tpu.dma_semaphore, #tpu.memory_space<semaphore_mem>>
      tpu.wait_indirect_dma semaphore(%dma_wait3A_133 : memref<!tpu.dma_semaphore, #tpu.memory_space<semaphore_mem>>) src(%dma_wait3A_131 : memref<10000x40xf32, #tpu.memory_space<hbm>>) dst(%dma_wait3A_125 : memref<128x40xf32, #tpu.memory_space<vmem>>)
      %run_scoped3A_134 = arith.constant 2 : i32
      "tpu.region"() ({
        %run_scoped3A_164 = tpu.sem_alloc : memref<!tpu.dma_semaphore, #tpu.memory_space<semaphore_mem>>
        %dma_start3A_165 = arith.constant 0 : i32
        %dma_start3A_166 = arith.constant 0 : i32
        %dma_start3A_167 = tpu.memref_slice %arg9[%run_scoped3A_134, %dma_start3A_165, %dma_start3A_166] : memref<4x128x40xf32, #tpu.memory_space<vmem>> -> memref<1x128x40xf32, #tpu.memory_space<vmem>>
        %dma_start3A_168 = tpu.memref_squeeze %dma_start3A_167 : memref<1x128x40xf32, #tpu.memory_space<vmem>> -> memref<128x40xf32, #tpu.memory_space<vmem>>
        %dma_start3A_169 = arith.constant 0 : i32
        %dma_start3A_170 = tpu.memref_slice %arg8[%add3A_119, %dma_start3A_169] : memref<80x128xi32, #tpu.memory_space<vmem>> -> memref<1x128xi32, #tpu.memory_space<vmem>>
        %dma_start3A_171 = tpu.memref_squeeze %dma_start3A_170 : memref<1x128xi32, #tpu.memory_space<vmem>> -> memref<128xi32, #tpu.memory_space<vmem>>
        %dma_start3A_172 = arith.constant 0 : i32
        %dma_start3A_173 = arith.constant 0 : i32
        %dma_start3A_174 = tpu.memref_slice %arg10[%dma_start3A_172, %dma_start3A_173] : memref<10240x40xf32, #tpu.memory_space<vmem_shared>> -> memref<10240x40xf32, #tpu.memory_space<vmem_shared>>
        tpu.enqueue_indirect_dma source(%dma_start3A_168 : memref<128x40xf32, #tpu.memory_space<vmem>>) target(%dma_start3A_174 : memref<10240x40xf32, #tpu.memory_space<vmem_shared>>) offsets(%dma_start3A_171 : memref<128xi32, #tpu.memory_space<vmem>>) semaphore(%run_scoped3A_164 : memref<!tpu.dma_semaphore, #tpu.memory_space<semaphore_mem>>) {add = true}
        %dma_wait3A_175 = arith.constant 0 : i32
        %dma_wait3A_176 = arith.constant 0 : i32
        %dma_wait3A_177 = tpu.memref_slice %arg9[%run_scoped3A_134, %dma_wait3A_175, %dma_wait3A_176] : memref<4x128x40xf32, #tpu.memory_space<vmem>> -> memref<1x128x40xf32, #tpu.memory_space<vmem>>
        %dma_wait3A_178 = tpu.memref_squeeze %dma_wait3A_177 : memref<1x128x40xf32, #tpu.memory_space<vmem>> -> memref<128x40xf32, #tpu.memory_space<vmem>>
        %dma_wait3A_179 = arith.constant 0 : i32
        %dma_wait3A_180 = tpu.memref_slice %arg8[%add3A_119, %dma_wait3A_179] : memref<80x128xi32, #tpu.memory_space<vmem>> -> memref<1x128xi32, #tpu.memory_space<vmem>>
        %dma_wait3A_181 = tpu.memref_squeeze %dma_wait3A_180 : memref<1x128xi32, #tpu.memory_space<vmem>> -> memref<128xi32, #tpu.memory_space<vmem>>
        %dma_wait3A_182 = arith.constant 0 : i32
        %dma_wait3A_183 = arith.constant 0 : i32
        %dma_wait3A_184 = tpu.memref_slice %arg10[%dma_wait3A_182, %dma_wait3A_183] : memref<10240x40xf32, #tpu.memory_space<vmem_shared>> -> memref<10240x40xf32, #tpu.memory_space<vmem_shared>>
        tpu.wait_indirect_dma semaphore(%run_scoped3A_164 : memref<!tpu.dma_semaphore, #tpu.memory_space<semaphore_mem>>) src(%dma_wait3A_178 : memref<128x40xf32, #tpu.memory_space<vmem>>) dst(%dma_wait3A_184 : memref<10240x40xf32, #tpu.memory_space<vmem_shared>>)
        tpu.yield
      }) : () -> ()
      %lt3A_135 = arith.constant 19 : i32
      %lt3A_136 = arith.cmpi slt, %scan3A_72, %lt3A_135 : i32
      %convert_element_type3A_137 = arith.extui %lt3A_136 : i1 to i32
      %cond3A_138 = arith.constant 0 : i32
      %cond3A_139 = arith.cmpi ne, %convert_element_type3A_137, %cond3A_138 : i32
      scf.if %cond3A_139 {
        %add3A_164 = arith.constant 4 : i32
        %add3A_165 = arith.addi %add3A_119, %add3A_164 : i32
        %dma_start3A_166 = arith.constant 2 : i32
        %dma_start3A_167 = arith.constant 2 : i32
        %dma_start3A_168 = arith.constant 0 : i32
        %dma_start3A_169 = arith.constant 0 : i32
        %dma_start3A_170 = tpu.memref_slice %arg9[%dma_start3A_166, %dma_start3A_168, %dma_start3A_169] : memref<4x128x40xf32, #tpu.memory_space<vmem>> -> memref<1x128x40xf32, #tpu.memory_space<vmem>>
        %dma_start3A_171 = tpu.memref_squeeze %dma_start3A_170 : memref<1x128x40xf32, #tpu.memory_space<vmem>> -> memref<128x40xf32, #tpu.memory_space<vmem>>
        %dma_start3A_172 = arith.constant 0 : i32
        %dma_start3A_173 = tpu.memref_slice %arg7[%add3A_165, %dma_start3A_172] : memref<80x128xi32, #tpu.memory_space<vmem>> -> memref<1x128xi32, #tpu.memory_space<vmem>>
        %dma_start3A_174 = tpu.memref_squeeze %dma_start3A_173 : memref<1x128xi32, #tpu.memory_space<vmem>> -> memref<128xi32, #tpu.memory_space<vmem>>
        %dma_start3A_175 = arith.constant 0 : i32
        %dma_start3A_176 = arith.constant 0 : i32
        %dma_start3A_177 = tpu.memref_slice %arg2[%dma_start3A_175, %dma_start3A_176] : memref<10000x40xf32, #tpu.memory_space<hbm>> -> memref<10000x40xf32, #tpu.memory_space<hbm>>
        %dma_start3A_178 = tpu.memref_slice %arg11[%dma_start3A_167] : memref<4x!tpu.dma_semaphore, #tpu.memory_space<semaphore_mem>> -> memref<1x!tpu.dma_semaphore, #tpu.memory_space<semaphore_mem>>
        %dma_start3A_179 = tpu.memref_squeeze %dma_start3A_178 : memref<1x!tpu.dma_semaphore, #tpu.memory_space<semaphore_mem>> -> memref<!tpu.dma_semaphore, #tpu.memory_space<semaphore_mem>>
        tpu.enqueue_indirect_dma source(%dma_start3A_177 : memref<10000x40xf32, #tpu.memory_space<hbm>>) target(%dma_start3A_171 : memref<128x40xf32, #tpu.memory_space<vmem>>) offsets(%dma_start3A_174 : memref<128xi32, #tpu.memory_space<vmem>>) semaphore(%dma_start3A_179 : memref<!tpu.dma_semaphore, #tpu.memory_space<semaphore_mem>>)
      } else {
      }
      %mul3A_140 = arith.constant 4 : i32
      %mul3A_141 = arith.muli %scan3A_72, %mul3A_140 : i32
      %add3A_142 = arith.constant 3 : i32
      %add3A_143 = arith.addi %mul3A_141, %add3A_142 : i32
      %dma_wait3A_144 = arith.constant 3 : i32
      %dma_wait3A_145 = arith.constant 3 : i32
      %dma_wait3A_146 = arith.constant 0 : i32
      %dma_wait3A_147 = arith.constant 0 : i32
      %dma_wait3A_148 = tpu.memref_slice %arg9[%dma_wait3A_144, %dma_wait3A_146, %dma_wait3A_147] : memref<4x128x40xf32, #tpu.memory_space<vmem>> -> memref<1x128x40xf32, #tpu.memory_space<vmem>>
      %dma_wait3A_149 = tpu.memref_squeeze %dma_wait3A_148 : memref<1x128x40xf32, #tpu.memory_space<vmem>> -> memref<128x40xf32, #tpu.memory_space<vmem>>
      %dma_wait3A_150 = arith.constant 0 : i32
      %dma_wait3A_151 = tpu.memref_slice %arg7[%add3A_143, %dma_wait3A_150] : memref<80x128xi32, #tpu.memory_space<vmem>> -> memref<1x128xi32, #tpu.memory_space<vmem>>
      %dma_wait3A_152 = tpu.memref_squeeze %dma_wait3A_151 : memref<1x128xi32, #tpu.memory_space<vmem>> -> memref<128xi32, #tpu.memory_space<vmem>>
      %dma_wait3A_153 = arith.constant 0 : i32
      %dma_wait3A_154 = arith.constant 0 : i32
      %dma_wait3A_155 = tpu.memref_slice %arg2[%dma_wait3A_153, %dma_wait3A_154] : memref<10000x40xf32, #tpu.memory_space<hbm>> -> memref<10000x40xf32, #tpu.memory_space<hbm>>
      %dma_wait3A_156 = tpu.memref_slice %arg11[%dma_wait3A_145] : memref<4x!tpu.dma_semaphore, #tpu.memory_space<semaphore_mem>> -> memref<1x!tpu.dma_semaphore, #tpu.memory_space<semaphore_mem>>
      %dma_wait3A_157 = tpu.memref_squeeze %dma_wait3A_156 : memref<1x!tpu.dma_semaphore, #tpu.memory_space<semaphore_mem>> -> memref<!tpu.dma_semaphore, #tpu.memory_space<semaphore_mem>>
      tpu.wait_indirect_dma semaphore(%dma_wait3A_157 : memref<!tpu.dma_semaphore, #tpu.memory_space<semaphore_mem>>) src(%dma_wait3A_155 : memref<10000x40xf32, #tpu.memory_space<hbm>>) dst(%dma_wait3A_149 : memref<128x40xf32, #tpu.memory_space<vmem>>)
      %run_scoped3A_158 = arith.constant 3 : i32
      "tpu.region"() ({
        %run_scoped3A_164 = tpu.sem_alloc : memref<!tpu.dma_semaphore, #tpu.memory_space<semaphore_mem>>
        %dma_start3A_165 = arith.constant 0 : i32
        %dma_start3A_166 = arith.constant 0 : i32
        %dma_start3A_167 = tpu.memref_slice %arg9[%run_scoped3A_158, %dma_start3A_165, %dma_start3A_166] : memref<4x128x40xf32, #tpu.memory_space<vmem>> -> memref<1x128x40xf32, #tpu.memory_space<vmem>>
        %dma_start3A_168 = tpu.memref_squeeze %dma_start3A_167 : memref<1x128x40xf32, #tpu.memory_space<vmem>> -> memref<128x40xf32, #tpu.memory_space<vmem>>
        %dma_start3A_169 = arith.constant 0 : i32
        %dma_start3A_170 = tpu.memref_slice %arg8[%add3A_143, %dma_start3A_169] : memref<80x128xi32, #tpu.memory_space<vmem>> -> memref<1x128xi32, #tpu.memory_space<vmem>>
        %dma_start3A_171 = tpu.memref_squeeze %dma_start3A_170 : memref<1x128xi32, #tpu.memory_space<vmem>> -> memref<128xi32, #tpu.memory_space<vmem>>
        %dma_start3A_172 = arith.constant 0 : i32
        %dma_start3A_173 = arith.constant 0 : i32
        %dma_start3A_174 = tpu.memref_slice %arg10[%dma_start3A_172, %dma_start3A_173] : memref<10240x40xf32, #tpu.memory_space<vmem_shared>> -> memref<10240x40xf32, #tpu.memory_space<vmem_shared>>
        tpu.enqueue_indirect_dma source(%dma_start3A_168 : memref<128x40xf32, #tpu.memory_space<vmem>>) target(%dma_start3A_174 : memref<10240x40xf32, #tpu.memory_space<vmem_shared>>) offsets(%dma_start3A_171 : memref<128xi32, #tpu.memory_space<vmem>>) semaphore(%run_scoped3A_164 : memref<!tpu.dma_semaphore, #tpu.memory_space<semaphore_mem>>) {add = true}
        %dma_wait3A_175 = arith.constant 0 : i32
        %dma_wait3A_176 = arith.constant 0 : i32
        %dma_wait3A_177 = tpu.memref_slice %arg9[%run_scoped3A_158, %dma_wait3A_175, %dma_wait3A_176] : memref<4x128x40xf32, #tpu.memory_space<vmem>> -> memref<1x128x40xf32, #tpu.memory_space<vmem>>
        %dma_wait3A_178 = tpu.memref_squeeze %dma_wait3A_177 : memref<1x128x40xf32, #tpu.memory_space<vmem>> -> memref<128x40xf32, #tpu.memory_space<vmem>>
        %dma_wait3A_179 = arith.constant 0 : i32
        %dma_wait3A_180 = tpu.memref_slice %arg8[%add3A_143, %dma_wait3A_179] : memref<80x128xi32, #tpu.memory_space<vmem>> -> memref<1x128xi32, #tpu.memory_space<vmem>>
        %dma_wait3A_181 = tpu.memref_squeeze %dma_wait3A_180 : memref<1x128xi32, #tpu.memory_space<vmem>> -> memref<128xi32, #tpu.memory_space<vmem>>
        %dma_wait3A_182 = arith.constant 0 : i32
        %dma_wait3A_183 = arith.constant 0 : i32
        %dma_wait3A_184 = tpu.memref_slice %arg10[%dma_wait3A_182, %dma_wait3A_183] : memref<10240x40xf32, #tpu.memory_space<vmem_shared>> -> memref<10240x40xf32, #tpu.memory_space<vmem_shared>>
        tpu.wait_indirect_dma semaphore(%run_scoped3A_164 : memref<!tpu.dma_semaphore, #tpu.memory_space<semaphore_mem>>) src(%dma_wait3A_178 : memref<128x40xf32, #tpu.memory_space<vmem>>) dst(%dma_wait3A_184 : memref<10240x40xf32, #tpu.memory_space<vmem_shared>>)
        tpu.yield
      }) : () -> ()
      %lt3A_159 = arith.constant 19 : i32
      %lt3A_160 = arith.cmpi slt, %scan3A_72, %lt3A_159 : i32
      %convert_element_type3A_161 = arith.extui %lt3A_160 : i1 to i32
      %cond3A_162 = arith.constant 0 : i32
      %cond3A_163 = arith.cmpi ne, %convert_element_type3A_161, %cond3A_162 : i32
      scf.if %cond3A_163 {
        %add3A_164 = arith.constant 4 : i32
        %add3A_165 = arith.addi %add3A_143, %add3A_164 : i32
        %dma_start3A_166 = arith.constant 3 : i32
        %dma_start3A_167 = arith.constant 3 : i32
        %dma_start3A_168 = arith.constant 0 : i32
        %dma_start3A_169 = arith.constant 0 : i32
        %dma_start3A_170 = tpu.memref_slice %arg9[%dma_start3A_166, %dma_start3A_168, %dma_start3A_169] : memref<4x128x40xf32, #tpu.memory_space<vmem>> -> memref<1x128x40xf32, #tpu.memory_space<vmem>>
        %dma_start3A_171 = tpu.memref_squeeze %dma_start3A_170 : memref<1x128x40xf32, #tpu.memory_space<vmem>> -> memref<128x40xf32, #tpu.memory_space<vmem>>
        %dma_start3A_172 = arith.constant 0 : i32
        %dma_start3A_173 = tpu.memref_slice %arg7[%add3A_165, %dma_start3A_172] : memref<80x128xi32, #tpu.memory_space<vmem>> -> memref<1x128xi32, #tpu.memory_space<vmem>>
        %dma_start3A_174 = tpu.memref_squeeze %dma_start3A_173 : memref<1x128xi32, #tpu.memory_space<vmem>> -> memref<128xi32, #tpu.memory_space<vmem>>
        %dma_start3A_175 = arith.constant 0 : i32
        %dma_start3A_176 = arith.constant 0 : i32
        %dma_start3A_177 = tpu.memref_slice %arg2[%dma_start3A_175, %dma_start3A_176] : memref<10000x40xf32, #tpu.memory_space<hbm>> -> memref<10000x40xf32, #tpu.memory_space<hbm>>
        %dma_start3A_178 = tpu.memref_slice %arg11[%dma_start3A_167] : memref<4x!tpu.dma_semaphore, #tpu.memory_space<semaphore_mem>> -> memref<1x!tpu.dma_semaphore, #tpu.memory_space<semaphore_mem>>
        %dma_start3A_179 = tpu.memref_squeeze %dma_start3A_178 : memref<1x!tpu.dma_semaphore, #tpu.memory_space<semaphore_mem>> -> memref<!tpu.dma_semaphore, #tpu.memory_space<semaphore_mem>>
        tpu.enqueue_indirect_dma source(%dma_start3A_177 : memref<10000x40xf32, #tpu.memory_space<hbm>>) target(%dma_start3A_171 : memref<128x40xf32, #tpu.memory_space<vmem>>) offsets(%dma_start3A_174 : memref<128xi32, #tpu.memory_space<vmem>>) semaphore(%dma_start3A_179 : memref<!tpu.dma_semaphore, #tpu.memory_space<semaphore_mem>>)
      } else {
      }
    }
    %scan3A_66 = arith.constant 20 : i32
    %barrier3A_67 = arith.constant 0 : index
    tpu.barrier barrier_id(%barrier3A_67)
    %mul3A_68 = arith.constant 640 : i32
    %mul3A_69 = arith.muli %arg1, %mul3A_68 : i32
    %mul3A_70 = arith.constant 640 : i32
    %mul3A_71 = arith.muli %arg1, %mul3A_70 : i32
    "tpu.region"() ({
      %run_scoped3A = tpu.sem_alloc : memref<!tpu.dma_semaphore, #tpu.memory_space<semaphore_mem>>
      %dma_start3A_72 = arith.constant 0 : i32
      %dma_start3A_73 = tpu.memref_slice %arg6[%arg0, %mul3A_71, %dma_start3A_72] : memref<2x10240x40xf32, #tpu.memory_space<hbm>> -> memref<1x640x40xf32, #tpu.memory_space<hbm>>
      %dma_start3A_74 = tpu.memref_squeeze %dma_start3A_73 : memref<1x640x40xf32, #tpu.memory_space<hbm>> -> memref<640x40xf32, #tpu.memory_space<hbm>>
      %dma_start3A_75 = arith.constant 0 : i32
      %dma_start3A_76 = tpu.memref_slice %arg10[%mul3A_69, %dma_start3A_75] : memref<10240x40xf32, #tpu.memory_space<vmem_shared>> -> memref<640x40xf32, #tpu.memory_space<vmem_shared>>
      tpu.enqueue_dma source(%dma_start3A_76 : memref<640x40xf32, #tpu.memory_space<vmem_shared>>) target(%dma_start3A_74 : memref<640x40xf32, #tpu.memory_space<hbm>>) target_semaphore(%run_scoped3A : memref<!tpu.dma_semaphore, #tpu.memory_space<semaphore_mem>>)
      %dma_wait3A = arith.constant 0 : i32
      %dma_wait3A_77 = tpu.memref_slice %arg6[%arg0, %mul3A_71, %dma_wait3A] : memref<2x10240x40xf32, #tpu.memory_space<hbm>> -> memref<1x640x40xf32, #tpu.memory_space<hbm>>
      %dma_wait3A_78 = tpu.memref_squeeze %dma_wait3A_77 : memref<1x640x40xf32, #tpu.memory_space<hbm>> -> memref<640x40xf32, #tpu.memory_space<hbm>>
      %dma_wait3A_79 = arith.constant 0 : i32
      %dma_wait3A_80 = tpu.memref_slice %arg10[%mul3A_69, %dma_wait3A_79] : memref<10240x40xf32, #tpu.memory_space<vmem_shared>> -> memref<640x40xf32, #tpu.memory_space<vmem_shared>>
      tpu.wait_dma2 semaphore(%run_scoped3A : memref<!tpu.dma_semaphore, #tpu.memory_space<semaphore_mem>>) src(%dma_wait3A_80 : memref<640x40xf32, #tpu.memory_space<vmem_shared>>) dst(%dma_wait3A_78 : memref<640x40xf32, #tpu.memory_space<hbm>>)
      tpu.yield
    }) : () -> ()
    return
  }
}

#map = affine_map<(d0, d1) -> (0, 0)>
#map1 = affine_map<(d0, d1) -> (0, 0, 0)>
module attributes {stable_mosaic.version = 14 : i64} {
  func.func @k(%arg0: i32, %arg1: i32, %arg2: memref<10000x16xf32, #tpu.memory_space<hbm>>, %arg3: memref<32x80x128xi32, #tpu.memory_space<hbm>>, %arg4: memref<32x80x128xi32, #tpu.memory_space<hbm>>, %arg5: memref<640x16xf32, #tpu.memory_space<hbm>>, %arg6: memref<2x10240x16xf32, #tpu.memory_space<hbm>>, %arg7: memref<80x128xi32, #tpu.memory_space<vmem>>, %arg8: memref<80x128xi32, #tpu.memory_space<vmem>>, %arg9: memref<4x128x16xf32, #tpu.memory_space<vmem>>, %arg10: memref<10240x16xf32, #tpu.memory_space<vmem_shared>>, %arg11: memref<4x!tpu.dma_semaphore, #tpu.memory_space<semaphore_mem>>) attributes {dimension_semantics = [#tpu.dimension_semantics<core_parallel>, #tpu.dimension_semantics<subcore_parallel>], iteration_bounds = array<i64: 2, 16>, scalar_prefetch = 0 : i64, scratch_operands = 5 : i64, tpu.core_type = #tpu.core_type<sc_vector_subcore>, window_params = [{transform_indices = #map}, {transform_indices = #map1}, {transform_indices = #map1}, {transform_indices = #map}, {transform_indices = #map1}]} {
    %mul3A = arith.constant 16 : i32
    %mul3A_0 = arith.muli %arg0, %mul3A : i32
    %add3A = arith.addi %mul3A_0, %arg1 : i32
    %mul3A_1 = arith.constant 640 : i32
    %mul3A_2 = arith.muli %arg1, %mul3A_1 : i32
    "tpu.region"() ({
      %run_scoped3A = tpu.sem_alloc : memref<!tpu.dma_semaphore, #tpu.memory_space<semaphore_mem>>
      %dma_start3A_72 = arith.constant 0 : i32
      %dma_start3A_73 = tpu.memref_slice %arg10[%mul3A_2, %dma_start3A_72] : memref<10240x16xf32, #tpu.memory_space<vmem_shared>> -> memref<640x16xf32, #tpu.memory_space<vmem_shared>>
      tpu.enqueue_dma source(%arg5 : memref<640x16xf32, #tpu.memory_space<hbm>>) target(%dma_start3A_73 : memref<640x16xf32, #tpu.memory_space<vmem_shared>>) target_semaphore(%run_scoped3A : memref<!tpu.dma_semaphore, #tpu.memory_space<semaphore_mem>>)
      %dma_wait3A = arith.constant 0 : i32
      %dma_wait3A_74 = tpu.memref_slice %arg10[%mul3A_2, %dma_wait3A] : memref<10240x16xf32, #tpu.memory_space<vmem_shared>> -> memref<640x16xf32, #tpu.memory_space<vmem_shared>>
      tpu.wait_dma2 semaphore(%run_scoped3A : memref<!tpu.dma_semaphore, #tpu.memory_space<semaphore_mem>>) src(%arg5 : memref<640x16xf32, #tpu.memory_space<hbm>>) dst(%dma_wait3A_74 : memref<640x16xf32, #tpu.memory_space<vmem_shared>>)
      tpu.yield
    }) : () -> ()
    "tpu.region"() ({
      %run_scoped3A = tpu.sem_alloc : memref<!tpu.dma_semaphore, #tpu.memory_space<semaphore_mem>>
      %dma_start3A_72 = arith.constant 0 : i32
      %dma_start3A_73 = arith.constant 0 : i32
      %dma_start3A_74 = tpu.memref_slice %arg3[%add3A, %dma_start3A_72, %dma_start3A_73] : memref<32x80x128xi32, #tpu.memory_space<hbm>> -> memref<1x80x128xi32, #tpu.memory_space<hbm>>
      %dma_start3A_75 = tpu.memref_squeeze %dma_start3A_74 : memref<1x80x128xi32, #tpu.memory_space<hbm>> -> memref<80x128xi32, #tpu.memory_space<hbm>>
      %dma_start3A_76 = arith.constant 0 : i32
      %dma_start3A_77 = arith.constant 0 : i32
      %dma_start3A_78 = tpu.memref_slice %arg3[%add3A, %dma_start3A_76, %dma_start3A_77] : memref<32x80x128xi32, #tpu.memory_space<hbm>> -> memref<1x80x128xi32, #tpu.memory_space<hbm>>
      %dma_start3A_79 = tpu.memref_squeeze %dma_start3A_78 : memref<1x80x128xi32, #tpu.memory_space<hbm>> -> memref<80x128xi32, #tpu.memory_space<hbm>>
      tpu.enqueue_dma source(%dma_start3A_79 : memref<80x128xi32, #tpu.memory_space<hbm>>) target(%arg7 : memref<80x128xi32, #tpu.memory_space<vmem>>) target_semaphore(%run_scoped3A : memref<!tpu.dma_semaphore, #tpu.memory_space<semaphore_mem>>)
      %dma_wait3A = arith.constant 0 : i32
      %dma_wait3A_80 = arith.constant 0 : i32
      %dma_wait3A_81 = tpu.memref_slice %arg3[%add3A, %dma_wait3A, %dma_wait3A_80] : memref<32x80x128xi32, #tpu.memory_space<hbm>> -> memref<1x80x128xi32, #tpu.memory_space<hbm>>
      %dma_wait3A_82 = tpu.memref_squeeze %dma_wait3A_81 : memref<1x80x128xi32, #tpu.memory_space<hbm>> -> memref<80x128xi32, #tpu.memory_space<hbm>>
      %dma_wait3A_83 = arith.constant 0 : i32
      %dma_wait3A_84 = arith.constant 0 : i32
      %dma_wait3A_85 = tpu.memref_slice %arg3[%add3A, %dma_wait3A_83, %dma_wait3A_84] : memref<32x80x128xi32, #tpu.memory_space<hbm>> -> memref<1x80x128xi32, #tpu.memory_space<hbm>>
      %dma_wait3A_86 = tpu.memref_squeeze %dma_wait3A_85 : memref<1x80x128xi32, #tpu.memory_space<hbm>> -> memref<80x128xi32, #tpu.memory_space<hbm>>
      tpu.wait_dma2 semaphore(%run_scoped3A : memref<!tpu.dma_semaphore, #tpu.memory_space<semaphore_mem>>) src(%dma_wait3A_86 : memref<80x128xi32, #tpu.memory_space<hbm>>) dst(%arg7 : memref<80x128xi32, #tpu.memory_space<vmem>>)
      tpu.yield
    }) : () -> ()
    "tpu.region"() ({
      %run_scoped3A = tpu.sem_alloc : memref<!tpu.dma_semaphore, #tpu.memory_space<semaphore_mem>>
      %dma_start3A_72 = arith.constant 0 : i32
      %dma_start3A_73 = arith.constant 0 : i32
      %dma_start3A_74 = tpu.memref_slice %arg4[%add3A, %dma_start3A_72, %dma_start3A_73] : memref<32x80x128xi32, #tpu.memory_space<hbm>> -> memref<1x80x128xi32, #tpu.memory_space<hbm>>
      %dma_start3A_75 = tpu.memref_squeeze %dma_start3A_74 : memref<1x80x128xi32, #tpu.memory_space<hbm>> -> memref<80x128xi32, #tpu.memory_space<hbm>>
      %dma_start3A_76 = arith.constant 0 : i32
      %dma_start3A_77 = arith.constant 0 : i32
      %dma_start3A_78 = tpu.memref_slice %arg4[%add3A, %dma_start3A_76, %dma_start3A_77] : memref<32x80x128xi32, #tpu.memory_space<hbm>> -> memref<1x80x128xi32, #tpu.memory_space<hbm>>
      %dma_start3A_79 = tpu.memref_squeeze %dma_start3A_78 : memref<1x80x128xi32, #tpu.memory_space<hbm>> -> memref<80x128xi32, #tpu.memory_space<hbm>>
      tpu.enqueue_dma source(%dma_start3A_79 : memref<80x128xi32, #tpu.memory_space<hbm>>) target(%arg8 : memref<80x128xi32, #tpu.memory_space<vmem>>) target_semaphore(%run_scoped3A : memref<!tpu.dma_semaphore, #tpu.memory_space<semaphore_mem>>)
      %dma_wait3A = arith.constant 0 : i32
      %dma_wait3A_80 = arith.constant 0 : i32
      %dma_wait3A_81 = tpu.memref_slice %arg4[%add3A, %dma_wait3A, %dma_wait3A_80] : memref<32x80x128xi32, #tpu.memory_space<hbm>> -> memref<1x80x128xi32, #tpu.memory_space<hbm>>
      %dma_wait3A_82 = tpu.memref_squeeze %dma_wait3A_81 : memref<1x80x128xi32, #tpu.memory_space<hbm>> -> memref<80x128xi32, #tpu.memory_space<hbm>>
      %dma_wait3A_83 = arith.constant 0 : i32
      %dma_wait3A_84 = arith.constant 0 : i32
      %dma_wait3A_85 = tpu.memref_slice %arg4[%add3A, %dma_wait3A_83, %dma_wait3A_84] : memref<32x80x128xi32, #tpu.memory_space<hbm>> -> memref<1x80x128xi32, #tpu.memory_space<hbm>>
      %dma_wait3A_86 = tpu.memref_squeeze %dma_wait3A_85 : memref<1x80x128xi32, #tpu.memory_space<hbm>> -> memref<80x128xi32, #tpu.memory_space<hbm>>
      tpu.wait_dma2 semaphore(%run_scoped3A : memref<!tpu.dma_semaphore, #tpu.memory_space<semaphore_mem>>) src(%dma_wait3A_86 : memref<80x128xi32, #tpu.memory_space<hbm>>) dst(%arg8 : memref<80x128xi32, #tpu.memory_space<vmem>>)
      tpu.yield
    }) : () -> ()
    %barrier3A = arith.constant 0 : index
    tpu.barrier barrier_id(%barrier3A)
    %dma_start3A = arith.constant 0 : i32
    %dma_start3A_3 = arith.constant 0 : i32
    %dma_start3A_4 = arith.constant 0 : i32
    %dma_start3A_5 = arith.constant 0 : i32
    %dma_start3A_6 = arith.constant 0 : i32
    %dma_start3A_7 = tpu.memref_slice %arg9[%dma_start3A_3, %dma_start3A_5, %dma_start3A_6] : memref<4x128x16xf32, #tpu.memory_space<vmem>> -> memref<1x128x16xf32, #tpu.memory_space<vmem>>
    %dma_start3A_8 = tpu.memref_squeeze %dma_start3A_7 : memref<1x128x16xf32, #tpu.memory_space<vmem>> -> memref<128x16xf32, #tpu.memory_space<vmem>>
    %dma_start3A_9 = arith.constant 0 : i32
    %dma_start3A_10 = tpu.memref_slice %arg7[%dma_start3A, %dma_start3A_9] : memref<80x128xi32, #tpu.memory_space<vmem>> -> memref<1x128xi32, #tpu.memory_space<vmem>>
    %dma_start3A_11 = tpu.memref_squeeze %dma_start3A_10 : memref<1x128xi32, #tpu.memory_space<vmem>> -> memref<128xi32, #tpu.memory_space<vmem>>
    %dma_start3A_12 = arith.constant 0 : i32
    %dma_start3A_13 = arith.constant 0 : i32
    %dma_start3A_14 = tpu.memref_slice %arg2[%dma_start3A_12, %dma_start3A_13] : memref<10000x16xf32, #tpu.memory_space<hbm>> -> memref<10000x16xf32, #tpu.memory_space<hbm>>
    %dma_start3A_15 = tpu.memref_slice %arg11[%dma_start3A_4] : memref<4x!tpu.dma_semaphore, #tpu.memory_space<semaphore_mem>> -> memref<1x!tpu.dma_semaphore, #tpu.memory_space<semaphore_mem>>
    %dma_start3A_16 = tpu.memref_squeeze %dma_start3A_15 : memref<1x!tpu.dma_semaphore, #tpu.memory_space<semaphore_mem>> -> memref<!tpu.dma_semaphore, #tpu.memory_space<semaphore_mem>>
    tpu.enqueue_indirect_dma source(%dma_start3A_14 : memref<10000x16xf32, #tpu.memory_space<hbm>>) target(%dma_start3A_8 : memref<128x16xf32, #tpu.memory_space<vmem>>) offsets(%dma_start3A_11 : memref<128xi32, #tpu.memory_space<vmem>>) semaphore(%dma_start3A_16 : memref<!tpu.dma_semaphore, #tpu.memory_space<semaphore_mem>>)
    %dma_start3A_17 = arith.constant 1 : i32
    %dma_start3A_18 = arith.constant 1 : i32
    %dma_start3A_19 = arith.constant 1 : i32
    %dma_start3A_20 = arith.constant 0 : i32
    %dma_start3A_21 = arith.constant 0 : i32
    %dma_start3A_22 = tpu.memref_slice %arg9[%dma_start3A_18, %dma_start3A_20, %dma_start3A_21] : memref<4x128x16xf32, #tpu.memory_space<vmem>> -> memref<1x128x16xf32, #tpu.memory_space<vmem>>
    %dma_start3A_23 = tpu.memref_squeeze %dma_start3A_22 : memref<1x128x16xf32, #tpu.memory_space<vmem>> -> memref<128x16xf32, #tpu.memory_space<vmem>>
    %dma_start3A_24 = arith.constant 0 : i32
    %dma_start3A_25 = tpu.memref_slice %arg7[%dma_start3A_17, %dma_start3A_24] : memref<80x128xi32, #tpu.memory_space<vmem>> -> memref<1x128xi32, #tpu.memory_space<vmem>>
    %dma_start3A_26 = tpu.memref_squeeze %dma_start3A_25 : memref<1x128xi32, #tpu.memory_space<vmem>> -> memref<128xi32, #tpu.memory_space<vmem>>
    %dma_start3A_27 = arith.constant 0 : i32
    %dma_start3A_28 = arith.constant 0 : i32
    %dma_start3A_29 = tpu.memref_slice %arg2[%dma_start3A_27, %dma_start3A_28] : memref<10000x16xf32, #tpu.memory_space<hbm>> -> memref<10000x16xf32, #tpu.memory_space<hbm>>
    %dma_start3A_30 = tpu.memref_slice %arg11[%dma_start3A_19] : memref<4x!tpu.dma_semaphore, #tpu.memory_space<semaphore_mem>> -> memref<1x!tpu.dma_semaphore, #tpu.memory_space<semaphore_mem>>
    %dma_start3A_31 = tpu.memref_squeeze %dma_start3A_30 : memref<1x!tpu.dma_semaphore, #tpu.memory_space<semaphore_mem>> -> memref<!tpu.dma_semaphore, #tpu.memory_space<semaphore_mem>>
    tpu.enqueue_indirect_dma source(%dma_start3A_29 : memref<10000x16xf32, #tpu.memory_space<hbm>>) target(%dma_start3A_23 : memref<128x16xf32, #tpu.memory_space<vmem>>) offsets(%dma_start3A_26 : memref<128xi32, #tpu.memory_space<vmem>>) semaphore(%dma_start3A_31 : memref<!tpu.dma_semaphore, #tpu.memory_space<semaphore_mem>>)
    %dma_start3A_32 = arith.constant 2 : i32
    %dma_start3A_33 = arith.constant 2 : i32
    %dma_start3A_34 = arith.constant 2 : i32
    %dma_start3A_35 = arith.constant 0 : i32
    %dma_start3A_36 = arith.constant 0 : i32
    %dma_start3A_37 = tpu.memref_slice %arg9[%dma_start3A_33, %dma_start3A_35, %dma_start3A_36] : memref<4x128x16xf32, #tpu.memory_space<vmem>> -> memref<1x128x16xf32, #tpu.memory_space<vmem>>
    %dma_start3A_38 = tpu.memref_squeeze %dma_start3A_37 : memref<1x128x16xf32, #tpu.memory_space<vmem>> -> memref<128x16xf32, #tpu.memory_space<vmem>>
    %dma_start3A_39 = arith.constant 0 : i32
    %dma_start3A_40 = tpu.memref_slice %arg7[%dma_start3A_32, %dma_start3A_39] : memref<80x128xi32, #tpu.memory_space<vmem>> -> memref<1x128xi32, #tpu.memory_space<vmem>>
    %dma_start3A_41 = tpu.memref_squeeze %dma_start3A_40 : memref<1x128xi32, #tpu.memory_space<vmem>> -> memref<128xi32, #tpu.memory_space<vmem>>
    %dma_start3A_42 = arith.constant 0 : i32
    %dma_start3A_43 = arith.constant 0 : i32
    %dma_start3A_44 = tpu.memref_slice %arg2[%dma_start3A_42, %dma_start3A_43] : memref<10000x16xf32, #tpu.memory_space<hbm>> -> memref<10000x16xf32, #tpu.memory_space<hbm>>
    %dma_start3A_45 = tpu.memref_slice %arg11[%dma_start3A_34] : memref<4x!tpu.dma_semaphore, #tpu.memory_space<semaphore_mem>> -> memref<1x!tpu.dma_semaphore, #tpu.memory_space<semaphore_mem>>
    %dma_start3A_46 = tpu.memref_squeeze %dma_start3A_45 : memref<1x!tpu.dma_semaphore, #tpu.memory_space<semaphore_mem>> -> memref<!tpu.dma_semaphore, #tpu.memory_space<semaphore_mem>>
    tpu.enqueue_indirect_dma source(%dma_start3A_44 : memref<10000x16xf32, #tpu.memory_space<hbm>>) target(%dma_start3A_38 : memref<128x16xf32, #tpu.memory_space<vmem>>) offsets(%dma_start3A_41 : memref<128xi32, #tpu.memory_space<vmem>>) semaphore(%dma_start3A_46 : memref<!tpu.dma_semaphore, #tpu.memory_space<semaphore_mem>>)
    %dma_start3A_47 = arith.constant 3 : i32
    %dma_start3A_48 = arith.constant 3 : i32
    %dma_start3A_49 = arith.constant 3 : i32
    %dma_start3A_50 = arith.constant 0 : i32
    %dma_start3A_51 = arith.constant 0 : i32
    %dma_start3A_52 = tpu.memref_slice %arg9[%dma_start3A_48, %dma_start3A_50, %dma_start3A_51] : memref<4x128x16xf32, #tpu.memory_space<vmem>> -> memref<1x128x16xf32, #tpu.memory_space<vmem>>
    %dma_start3A_53 = tpu.memref_squeeze %dma_start3A_52 : memref<1x128x16xf32, #tpu.memory_space<vmem>> -> memref<128x16xf32, #tpu.memory_space<vmem>>
    %dma_start3A_54 = arith.constant 0 : i32
    %dma_start3A_55 = tpu.memref_slice %arg7[%dma_start3A_47, %dma_start3A_54] : memref<80x128xi32, #tpu.memory_space<vmem>> -> memref<1x128xi32, #tpu.memory_space<vmem>>
    %dma_start3A_56 = tpu.memref_squeeze %dma_start3A_55 : memref<1x128xi32, #tpu.memory_space<vmem>> -> memref<128xi32, #tpu.memory_space<vmem>>
    %dma_start3A_57 = arith.constant 0 : i32
    %dma_start3A_58 = arith.constant 0 : i32
    %dma_start3A_59 = tpu.memref_slice %arg2[%dma_start3A_57, %dma_start3A_58] : memref<10000x16xf32, #tpu.memory_space<hbm>> -> memref<10000x16xf32, #tpu.memory_space<hbm>>
    %dma_start3A_60 = tpu.memref_slice %arg11[%dma_start3A_49] : memref<4x!tpu.dma_semaphore, #tpu.memory_space<semaphore_mem>> -> memref<1x!tpu.dma_semaphore, #tpu.memory_space<semaphore_mem>>
    %dma_start3A_61 = tpu.memref_squeeze %dma_start3A_60 : memref<1x!tpu.dma_semaphore, #tpu.memory_space<semaphore_mem>> -> memref<!tpu.dma_semaphore, #tpu.memory_space<semaphore_mem>>
    tpu.enqueue_indirect_dma source(%dma_start3A_59 : memref<10000x16xf32, #tpu.memory_space<hbm>>) target(%dma_start3A_53 : memref<128x16xf32, #tpu.memory_space<vmem>>) offsets(%dma_start3A_56 : memref<128xi32, #tpu.memory_space<vmem>>) semaphore(%dma_start3A_61 : memref<!tpu.dma_semaphore, #tpu.memory_space<semaphore_mem>>)
    %scan3A = arith.constant 0 : i32
    %scan3A_62 = arith.constant 0 : i32
    %scan3A_63 = arith.constant 20 : i32
    %scan3A_64 = arith.addi %scan3A_62, %scan3A_63 : i32
    %scan3A_65 = arith.constant 1 : i32
    scf.for %scan3A_72 = %scan3A_62 to %scan3A_64 step %scan3A_65  : i32 {
      %mul3A_73 = arith.constant 4 : i32
      %mul3A_74 = arith.muli %scan3A_72, %mul3A_73 : i32
      %add3A_75 = arith.constant 0 : i32
      %add3A_76 = arith.addi %mul3A_74, %add3A_75 : i32
      %dma_wait3A = arith.constant 0 : i32
      %dma_wait3A_77 = arith.constant 0 : i32
      %dma_wait3A_78 = arith.constant 0 : i32
      %dma_wait3A_79 = arith.constant 0 : i32
      %dma_wait3A_80 = tpu.memref_slice %arg9[%dma_wait3A, %dma_wait3A_78, %dma_wait3A_79] : memref<4x128x16xf32, #tpu.memory_space<vmem>> -> memref<1x128x16xf32, #tpu.memory_space<vmem>>
      %dma_wait3A_81 = tpu.memref_squeeze %dma_wait3A_80 : memref<1x128x16xf32, #tpu.memory_space<vmem>> -> memref<128x16xf32, #tpu.memory_space<vmem>>
      %dma_wait3A_82 = arith.constant 0 : i32
      %dma_wait3A_83 = tpu.memref_slice %arg7[%add3A_76, %dma_wait3A_82] : memref<80x128xi32, #tpu.memory_space<vmem>> -> memref<1x128xi32, #tpu.memory_space<vmem>>
      %dma_wait3A_84 = tpu.memref_squeeze %dma_wait3A_83 : memref<1x128xi32, #tpu.memory_space<vmem>> -> memref<128xi32, #tpu.memory_space<vmem>>
      %dma_wait3A_85 = arith.constant 0 : i32
      %dma_wait3A_86 = arith.constant 0 : i32
      %dma_wait3A_87 = tpu.memref_slice %arg2[%dma_wait3A_85, %dma_wait3A_86] : memref<10000x16xf32, #tpu.memory_space<hbm>> -> memref<10000x16xf32, #tpu.memory_space<hbm>>
      %dma_wait3A_88 = tpu.memref_slice %arg11[%dma_wait3A_77] : memref<4x!tpu.dma_semaphore, #tpu.memory_space<semaphore_mem>> -> memref<1x!tpu.dma_semaphore, #tpu.memory_space<semaphore_mem>>
      %dma_wait3A_89 = tpu.memref_squeeze %dma_wait3A_88 : memref<1x!tpu.dma_semaphore, #tpu.memory_space<semaphore_mem>> -> memref<!tpu.dma_semaphore, #tpu.memory_space<semaphore_mem>>
      tpu.wait_indirect_dma semaphore(%dma_wait3A_89 : memref<!tpu.dma_semaphore, #tpu.memory_space<semaphore_mem>>) src(%dma_wait3A_87 : memref<10000x16xf32, #tpu.memory_space<hbm>>) dst(%dma_wait3A_81 : memref<128x16xf32, #tpu.memory_space<vmem>>)
      %run_scoped3A = arith.constant 0 : i32
      "tpu.region"() ({
        %run_scoped3A_164 = tpu.sem_alloc : memref<!tpu.dma_semaphore, #tpu.memory_space<semaphore_mem>>
        %dma_start3A_165 = arith.constant 0 : i32
        %dma_start3A_166 = arith.constant 0 : i32
        %dma_start3A_167 = tpu.memref_slice %arg9[%run_scoped3A, %dma_start3A_165, %dma_start3A_166] : memref<4x128x16xf32, #tpu.memory_space<vmem>> -> memref<1x128x16xf32, #tpu.memory_space<vmem>>
        %dma_start3A_168 = tpu.memref_squeeze %dma_start3A_167 : memref<1x128x16xf32, #tpu.memory_space<vmem>> -> memref<128x16xf32, #tpu.memory_space<vmem>>
        %dma_start3A_169 = arith.constant 0 : i32
        %dma_start3A_170 = tpu.memref_slice %arg8[%add3A_76, %dma_start3A_169] : memref<80x128xi32, #tpu.memory_space<vmem>> -> memref<1x128xi32, #tpu.memory_space<vmem>>
        %dma_start3A_171 = tpu.memref_squeeze %dma_start3A_170 : memref<1x128xi32, #tpu.memory_space<vmem>> -> memref<128xi32, #tpu.memory_space<vmem>>
        %dma_start3A_172 = arith.constant 0 : i32
        %dma_start3A_173 = arith.constant 0 : i32
        %dma_start3A_174 = tpu.memref_slice %arg10[%dma_start3A_172, %dma_start3A_173] : memref<10240x16xf32, #tpu.memory_space<vmem_shared>> -> memref<10240x16xf32, #tpu.memory_space<vmem_shared>>
        tpu.enqueue_indirect_dma source(%dma_start3A_168 : memref<128x16xf32, #tpu.memory_space<vmem>>) target(%dma_start3A_174 : memref<10240x16xf32, #tpu.memory_space<vmem_shared>>) offsets(%dma_start3A_171 : memref<128xi32, #tpu.memory_space<vmem>>) semaphore(%run_scoped3A_164 : memref<!tpu.dma_semaphore, #tpu.memory_space<semaphore_mem>>) {add = true}
        %dma_wait3A_175 = arith.constant 0 : i32
        %dma_wait3A_176 = arith.constant 0 : i32
        %dma_wait3A_177 = tpu.memref_slice %arg9[%run_scoped3A, %dma_wait3A_175, %dma_wait3A_176] : memref<4x128x16xf32, #tpu.memory_space<vmem>> -> memref<1x128x16xf32, #tpu.memory_space<vmem>>
        %dma_wait3A_178 = tpu.memref_squeeze %dma_wait3A_177 : memref<1x128x16xf32, #tpu.memory_space<vmem>> -> memref<128x16xf32, #tpu.memory_space<vmem>>
        %dma_wait3A_179 = arith.constant 0 : i32
        %dma_wait3A_180 = tpu.memref_slice %arg8[%add3A_76, %dma_wait3A_179] : memref<80x128xi32, #tpu.memory_space<vmem>> -> memref<1x128xi32, #tpu.memory_space<vmem>>
        %dma_wait3A_181 = tpu.memref_squeeze %dma_wait3A_180 : memref<1x128xi32, #tpu.memory_space<vmem>> -> memref<128xi32, #tpu.memory_space<vmem>>
        %dma_wait3A_182 = arith.constant 0 : i32
        %dma_wait3A_183 = arith.constant 0 : i32
        %dma_wait3A_184 = tpu.memref_slice %arg10[%dma_wait3A_182, %dma_wait3A_183] : memref<10240x16xf32, #tpu.memory_space<vmem_shared>> -> memref<10240x16xf32, #tpu.memory_space<vmem_shared>>
        tpu.wait_indirect_dma semaphore(%run_scoped3A_164 : memref<!tpu.dma_semaphore, #tpu.memory_space<semaphore_mem>>) src(%dma_wait3A_178 : memref<128x16xf32, #tpu.memory_space<vmem>>) dst(%dma_wait3A_184 : memref<10240x16xf32, #tpu.memory_space<vmem_shared>>)
        tpu.yield
      }) : () -> ()
      %lt3A = arith.constant 19 : i32
      %lt3A_90 = arith.cmpi slt, %scan3A_72, %lt3A : i32
      %convert_element_type3A = arith.extui %lt3A_90 : i1 to i32
      %cond3A = arith.constant 0 : i32
      %cond3A_91 = arith.cmpi ne, %convert_element_type3A, %cond3A : i32
      scf.if %cond3A_91 {
        %add3A_164 = arith.constant 4 : i32
        %add3A_165 = arith.addi %add3A_76, %add3A_164 : i32
        %dma_start3A_166 = arith.constant 0 : i32
        %dma_start3A_167 = arith.constant 0 : i32
        %dma_start3A_168 = arith.constant 0 : i32
        %dma_start3A_169 = arith.constant 0 : i32
        %dma_start3A_170 = tpu.memref_slice %arg9[%dma_start3A_166, %dma_start3A_168, %dma_start3A_169] : memref<4x128x16xf32, #tpu.memory_space<vmem>> -> memref<1x128x16xf32, #tpu.memory_space<vmem>>
        %dma_start3A_171 = tpu.memref_squeeze %dma_start3A_170 : memref<1x128x16xf32, #tpu.memory_space<vmem>> -> memref<128x16xf32, #tpu.memory_space<vmem>>
        %dma_start3A_172 = arith.constant 0 : i32
        %dma_start3A_173 = tpu.memref_slice %arg7[%add3A_165, %dma_start3A_172] : memref<80x128xi32, #tpu.memory_space<vmem>> -> memref<1x128xi32, #tpu.memory_space<vmem>>
        %dma_start3A_174 = tpu.memref_squeeze %dma_start3A_173 : memref<1x128xi32, #tpu.memory_space<vmem>> -> memref<128xi32, #tpu.memory_space<vmem>>
        %dma_start3A_175 = arith.constant 0 : i32
        %dma_start3A_176 = arith.constant 0 : i32
        %dma_start3A_177 = tpu.memref_slice %arg2[%dma_start3A_175, %dma_start3A_176] : memref<10000x16xf32, #tpu.memory_space<hbm>> -> memref<10000x16xf32, #tpu.memory_space<hbm>>
        %dma_start3A_178 = tpu.memref_slice %arg11[%dma_start3A_167] : memref<4x!tpu.dma_semaphore, #tpu.memory_space<semaphore_mem>> -> memref<1x!tpu.dma_semaphore, #tpu.memory_space<semaphore_mem>>
        %dma_start3A_179 = tpu.memref_squeeze %dma_start3A_178 : memref<1x!tpu.dma_semaphore, #tpu.memory_space<semaphore_mem>> -> memref<!tpu.dma_semaphore, #tpu.memory_space<semaphore_mem>>
        tpu.enqueue_indirect_dma source(%dma_start3A_177 : memref<10000x16xf32, #tpu.memory_space<hbm>>) target(%dma_start3A_171 : memref<128x16xf32, #tpu.memory_space<vmem>>) offsets(%dma_start3A_174 : memref<128xi32, #tpu.memory_space<vmem>>) semaphore(%dma_start3A_179 : memref<!tpu.dma_semaphore, #tpu.memory_space<semaphore_mem>>)
      } else {
      }
      %mul3A_92 = arith.constant 4 : i32
      %mul3A_93 = arith.muli %scan3A_72, %mul3A_92 : i32
      %add3A_94 = arith.constant 1 : i32
      %add3A_95 = arith.addi %mul3A_93, %add3A_94 : i32
      %dma_wait3A_96 = arith.constant 1 : i32
      %dma_wait3A_97 = arith.constant 1 : i32
      %dma_wait3A_98 = arith.constant 0 : i32
      %dma_wait3A_99 = arith.constant 0 : i32
      %dma_wait3A_100 = tpu.memref_slice %arg9[%dma_wait3A_96, %dma_wait3A_98, %dma_wait3A_99] : memref<4x128x16xf32, #tpu.memory_space<vmem>> -> memref<1x128x16xf32, #tpu.memory_space<vmem>>
      %dma_wait3A_101 = tpu.memref_squeeze %dma_wait3A_100 : memref<1x128x16xf32, #tpu.memory_space<vmem>> -> memref<128x16xf32, #tpu.memory_space<vmem>>
      %dma_wait3A_102 = arith.constant 0 : i32
      %dma_wait3A_103 = tpu.memref_slice %arg7[%add3A_95, %dma_wait3A_102] : memref<80x128xi32, #tpu.memory_space<vmem>> -> memref<1x128xi32, #tpu.memory_space<vmem>>
      %dma_wait3A_104 = tpu.memref_squeeze %dma_wait3A_103 : memref<1x128xi32, #tpu.memory_space<vmem>> -> memref<128xi32, #tpu.memory_space<vmem>>
      %dma_wait3A_105 = arith.constant 0 : i32
      %dma_wait3A_106 = arith.constant 0 : i32
      %dma_wait3A_107 = tpu.memref_slice %arg2[%dma_wait3A_105, %dma_wait3A_106] : memref<10000x16xf32, #tpu.memory_space<hbm>> -> memref<10000x16xf32, #tpu.memory_space<hbm>>
      %dma_wait3A_108 = tpu.memref_slice %arg11[%dma_wait3A_97] : memref<4x!tpu.dma_semaphore, #tpu.memory_space<semaphore_mem>> -> memref<1x!tpu.dma_semaphore, #tpu.memory_space<semaphore_mem>>
      %dma_wait3A_109 = tpu.memref_squeeze %dma_wait3A_108 : memref<1x!tpu.dma_semaphore, #tpu.memory_space<semaphore_mem>> -> memref<!tpu.dma_semaphore, #tpu.memory_space<semaphore_mem>>
      tpu.wait_indirect_dma semaphore(%dma_wait3A_109 : memref<!tpu.dma_semaphore, #tpu.memory_space<semaphore_mem>>) src(%dma_wait3A_107 : memref<10000x16xf32, #tpu.memory_space<hbm>>) dst(%dma_wait3A_101 : memref<128x16xf32, #tpu.memory_space<vmem>>)
      %run_scoped3A_110 = arith.constant 1 : i32
      "tpu.region"() ({
        %run_scoped3A_164 = tpu.sem_alloc : memref<!tpu.dma_semaphore, #tpu.memory_space<semaphore_mem>>
        %dma_start3A_165 = arith.constant 0 : i32
        %dma_start3A_166 = arith.constant 0 : i32
        %dma_start3A_167 = tpu.memref_slice %arg9[%run_scoped3A_110, %dma_start3A_165, %dma_start3A_166] : memref<4x128x16xf32, #tpu.memory_space<vmem>> -> memref<1x128x16xf32, #tpu.memory_space<vmem>>
        %dma_start3A_168 = tpu.memref_squeeze %dma_start3A_167 : memref<1x128x16xf32, #tpu.memory_space<vmem>> -> memref<128x16xf32, #tpu.memory_space<vmem>>
        %dma_start3A_169 = arith.constant 0 : i32
        %dma_start3A_170 = tpu.memref_slice %arg8[%add3A_95, %dma_start3A_169] : memref<80x128xi32, #tpu.memory_space<vmem>> -> memref<1x128xi32, #tpu.memory_space<vmem>>
        %dma_start3A_171 = tpu.memref_squeeze %dma_start3A_170 : memref<1x128xi32, #tpu.memory_space<vmem>> -> memref<128xi32, #tpu.memory_space<vmem>>
        %dma_start3A_172 = arith.constant 0 : i32
        %dma_start3A_173 = arith.constant 0 : i32
        %dma_start3A_174 = tpu.memref_slice %arg10[%dma_start3A_172, %dma_start3A_173] : memref<10240x16xf32, #tpu.memory_space<vmem_shared>> -> memref<10240x16xf32, #tpu.memory_space<vmem_shared>>
        tpu.enqueue_indirect_dma source(%dma_start3A_168 : memref<128x16xf32, #tpu.memory_space<vmem>>) target(%dma_start3A_174 : memref<10240x16xf32, #tpu.memory_space<vmem_shared>>) offsets(%dma_start3A_171 : memref<128xi32, #tpu.memory_space<vmem>>) semaphore(%run_scoped3A_164 : memref<!tpu.dma_semaphore, #tpu.memory_space<semaphore_mem>>) {add = true}
        %dma_wait3A_175 = arith.constant 0 : i32
        %dma_wait3A_176 = arith.constant 0 : i32
        %dma_wait3A_177 = tpu.memref_slice %arg9[%run_scoped3A_110, %dma_wait3A_175, %dma_wait3A_176] : memref<4x128x16xf32, #tpu.memory_space<vmem>> -> memref<1x128x16xf32, #tpu.memory_space<vmem>>
        %dma_wait3A_178 = tpu.memref_squeeze %dma_wait3A_177 : memref<1x128x16xf32, #tpu.memory_space<vmem>> -> memref<128x16xf32, #tpu.memory_space<vmem>>
        %dma_wait3A_179 = arith.constant 0 : i32
        %dma_wait3A_180 = tpu.memref_slice %arg8[%add3A_95, %dma_wait3A_179] : memref<80x128xi32, #tpu.memory_space<vmem>> -> memref<1x128xi32, #tpu.memory_space<vmem>>
        %dma_wait3A_181 = tpu.memref_squeeze %dma_wait3A_180 : memref<1x128xi32, #tpu.memory_space<vmem>> -> memref<128xi32, #tpu.memory_space<vmem>>
        %dma_wait3A_182 = arith.constant 0 : i32
        %dma_wait3A_183 = arith.constant 0 : i32
        %dma_wait3A_184 = tpu.memref_slice %arg10[%dma_wait3A_182, %dma_wait3A_183] : memref<10240x16xf32, #tpu.memory_space<vmem_shared>> -> memref<10240x16xf32, #tpu.memory_space<vmem_shared>>
        tpu.wait_indirect_dma semaphore(%run_scoped3A_164 : memref<!tpu.dma_semaphore, #tpu.memory_space<semaphore_mem>>) src(%dma_wait3A_178 : memref<128x16xf32, #tpu.memory_space<vmem>>) dst(%dma_wait3A_184 : memref<10240x16xf32, #tpu.memory_space<vmem_shared>>)
        tpu.yield
      }) : () -> ()
      %lt3A_111 = arith.constant 19 : i32
      %lt3A_112 = arith.cmpi slt, %scan3A_72, %lt3A_111 : i32
      %convert_element_type3A_113 = arith.extui %lt3A_112 : i1 to i32
      %cond3A_114 = arith.constant 0 : i32
      %cond3A_115 = arith.cmpi ne, %convert_element_type3A_113, %cond3A_114 : i32
      scf.if %cond3A_115 {
        %add3A_164 = arith.constant 4 : i32
        %add3A_165 = arith.addi %add3A_95, %add3A_164 : i32
        %dma_start3A_166 = arith.constant 1 : i32
        %dma_start3A_167 = arith.constant 1 : i32
        %dma_start3A_168 = arith.constant 0 : i32
        %dma_start3A_169 = arith.constant 0 : i32
        %dma_start3A_170 = tpu.memref_slice %arg9[%dma_start3A_166, %dma_start3A_168, %dma_start3A_169] : memref<4x128x16xf32, #tpu.memory_space<vmem>> -> memref<1x128x16xf32, #tpu.memory_space<vmem>>
        %dma_start3A_171 = tpu.memref_squeeze %dma_start3A_170 : memref<1x128x16xf32, #tpu.memory_space<vmem>> -> memref<128x16xf32, #tpu.memory_space<vmem>>
        %dma_start3A_172 = arith.constant 0 : i32
        %dma_start3A_173 = tpu.memref_slice %arg7[%add3A_165, %dma_start3A_172] : memref<80x128xi32, #tpu.memory_space<vmem>> -> memref<1x128xi32, #tpu.memory_space<vmem>>
        %dma_start3A_174 = tpu.memref_squeeze %dma_start3A_173 : memref<1x128xi32, #tpu.memory_space<vmem>> -> memref<128xi32, #tpu.memory_space<vmem>>
        %dma_start3A_175 = arith.constant 0 : i32
        %dma_start3A_176 = arith.constant 0 : i32
        %dma_start3A_177 = tpu.memref_slice %arg2[%dma_start3A_175, %dma_start3A_176] : memref<10000x16xf32, #tpu.memory_space<hbm>> -> memref<10000x16xf32, #tpu.memory_space<hbm>>
        %dma_start3A_178 = tpu.memref_slice %arg11[%dma_start3A_167] : memref<4x!tpu.dma_semaphore, #tpu.memory_space<semaphore_mem>> -> memref<1x!tpu.dma_semaphore, #tpu.memory_space<semaphore_mem>>
        %dma_start3A_179 = tpu.memref_squeeze %dma_start3A_178 : memref<1x!tpu.dma_semaphore, #tpu.memory_space<semaphore_mem>> -> memref<!tpu.dma_semaphore, #tpu.memory_space<semaphore_mem>>
        tpu.enqueue_indirect_dma source(%dma_start3A_177 : memref<10000x16xf32, #tpu.memory_space<hbm>>) target(%dma_start3A_171 : memref<128x16xf32, #tpu.memory_space<vmem>>) offsets(%dma_start3A_174 : memref<128xi32, #tpu.memory_space<vmem>>) semaphore(%dma_start3A_179 : memref<!tpu.dma_semaphore, #tpu.memory_space<semaphore_mem>>)
      } else {
      }
      %mul3A_116 = arith.constant 4 : i32
      %mul3A_117 = arith.muli %scan3A_72, %mul3A_116 : i32
      %add3A_118 = arith.constant 2 : i32
      %add3A_119 = arith.addi %mul3A_117, %add3A_118 : i32
      %dma_wait3A_120 = arith.constant 2 : i32
      %dma_wait3A_121 = arith.constant 2 : i32
      %dma_wait3A_122 = arith.constant 0 : i32
      %dma_wait3A_123 = arith.constant 0 : i32
      %dma_wait3A_124 = tpu.memref_slice %arg9[%dma_wait3A_120, %dma_wait3A_122, %dma_wait3A_123] : memref<4x128x16xf32, #tpu.memory_space<vmem>> -> memref<1x128x16xf32, #tpu.memory_space<vmem>>
      %dma_wait3A_125 = tpu.memref_squeeze %dma_wait3A_124 : memref<1x128x16xf32, #tpu.memory_space<vmem>> -> memref<128x16xf32, #tpu.memory_space<vmem>>
      %dma_wait3A_126 = arith.constant 0 : i32
      %dma_wait3A_127 = tpu.memref_slice %arg7[%add3A_119, %dma_wait3A_126] : memref<80x128xi32, #tpu.memory_space<vmem>> -> memref<1x128xi32, #tpu.memory_space<vmem>>
      %dma_wait3A_128 = tpu.memref_squeeze %dma_wait3A_127 : memref<1x128xi32, #tpu.memory_space<vmem>> -> memref<128xi32, #tpu.memory_space<vmem>>
      %dma_wait3A_129 = arith.constant 0 : i32
      %dma_wait3A_130 = arith.constant 0 : i32
      %dma_wait3A_131 = tpu.memref_slice %arg2[%dma_wait3A_129, %dma_wait3A_130] : memref<10000x16xf32, #tpu.memory_space<hbm>> -> memref<10000x16xf32, #tpu.memory_space<hbm>>
      %dma_wait3A_132 = tpu.memref_slice %arg11[%dma_wait3A_121] : memref<4x!tpu.dma_semaphore, #tpu.memory_space<semaphore_mem>> -> memref<1x!tpu.dma_semaphore, #tpu.memory_space<semaphore_mem>>
      %dma_wait3A_133 = tpu.memref_squeeze %dma_wait3A_132 : memref<1x!tpu.dma_semaphore, #tpu.memory_space<semaphore_mem>> -> memref<!tpu.dma_semaphore, #tpu.memory_space<semaphore_mem>>
      tpu.wait_indirect_dma semaphore(%dma_wait3A_133 : memref<!tpu.dma_semaphore, #tpu.memory_space<semaphore_mem>>) src(%dma_wait3A_131 : memref<10000x16xf32, #tpu.memory_space<hbm>>) dst(%dma_wait3A_125 : memref<128x16xf32, #tpu.memory_space<vmem>>)
      %run_scoped3A_134 = arith.constant 2 : i32
      "tpu.region"() ({
        %run_scoped3A_164 = tpu.sem_alloc : memref<!tpu.dma_semaphore, #tpu.memory_space<semaphore_mem>>
        %dma_start3A_165 = arith.constant 0 : i32
        %dma_start3A_166 = arith.constant 0 : i32
        %dma_start3A_167 = tpu.memref_slice %arg9[%run_scoped3A_134, %dma_start3A_165, %dma_start3A_166] : memref<4x128x16xf32, #tpu.memory_space<vmem>> -> memref<1x128x16xf32, #tpu.memory_space<vmem>>
        %dma_start3A_168 = tpu.memref_squeeze %dma_start3A_167 : memref<1x128x16xf32, #tpu.memory_space<vmem>> -> memref<128x16xf32, #tpu.memory_space<vmem>>
        %dma_start3A_169 = arith.constant 0 : i32
        %dma_start3A_170 = tpu.memref_slice %arg8[%add3A_119, %dma_start3A_169] : memref<80x128xi32, #tpu.memory_space<vmem>> -> memref<1x128xi32, #tpu.memory_space<vmem>>
        %dma_start3A_171 = tpu.memref_squeeze %dma_start3A_170 : memref<1x128xi32, #tpu.memory_space<vmem>> -> memref<128xi32, #tpu.memory_space<vmem>>
        %dma_start3A_172 = arith.constant 0 : i32
        %dma_start3A_173 = arith.constant 0 : i32
        %dma_start3A_174 = tpu.memref_slice %arg10[%dma_start3A_172, %dma_start3A_173] : memref<10240x16xf32, #tpu.memory_space<vmem_shared>> -> memref<10240x16xf32, #tpu.memory_space<vmem_shared>>
        tpu.enqueue_indirect_dma source(%dma_start3A_168 : memref<128x16xf32, #tpu.memory_space<vmem>>) target(%dma_start3A_174 : memref<10240x16xf32, #tpu.memory_space<vmem_shared>>) offsets(%dma_start3A_171 : memref<128xi32, #tpu.memory_space<vmem>>) semaphore(%run_scoped3A_164 : memref<!tpu.dma_semaphore, #tpu.memory_space<semaphore_mem>>) {add = true}
        %dma_wait3A_175 = arith.constant 0 : i32
        %dma_wait3A_176 = arith.constant 0 : i32
        %dma_wait3A_177 = tpu.memref_slice %arg9[%run_scoped3A_134, %dma_wait3A_175, %dma_wait3A_176] : memref<4x128x16xf32, #tpu.memory_space<vmem>> -> memref<1x128x16xf32, #tpu.memory_space<vmem>>
        %dma_wait3A_178 = tpu.memref_squeeze %dma_wait3A_177 : memref<1x128x16xf32, #tpu.memory_space<vmem>> -> memref<128x16xf32, #tpu.memory_space<vmem>>
        %dma_wait3A_179 = arith.constant 0 : i32
        %dma_wait3A_180 = tpu.memref_slice %arg8[%add3A_119, %dma_wait3A_179] : memref<80x128xi32, #tpu.memory_space<vmem>> -> memref<1x128xi32, #tpu.memory_space<vmem>>
        %dma_wait3A_181 = tpu.memref_squeeze %dma_wait3A_180 : memref<1x128xi32, #tpu.memory_space<vmem>> -> memref<128xi32, #tpu.memory_space<vmem>>
        %dma_wait3A_182 = arith.constant 0 : i32
        %dma_wait3A_183 = arith.constant 0 : i32
        %dma_wait3A_184 = tpu.memref_slice %arg10[%dma_wait3A_182, %dma_wait3A_183] : memref<10240x16xf32, #tpu.memory_space<vmem_shared>> -> memref<10240x16xf32, #tpu.memory_space<vmem_shared>>
        tpu.wait_indirect_dma semaphore(%run_scoped3A_164 : memref<!tpu.dma_semaphore, #tpu.memory_space<semaphore_mem>>) src(%dma_wait3A_178 : memref<128x16xf32, #tpu.memory_space<vmem>>) dst(%dma_wait3A_184 : memref<10240x16xf32, #tpu.memory_space<vmem_shared>>)
        tpu.yield
      }) : () -> ()
      %lt3A_135 = arith.constant 19 : i32
      %lt3A_136 = arith.cmpi slt, %scan3A_72, %lt3A_135 : i32
      %convert_element_type3A_137 = arith.extui %lt3A_136 : i1 to i32
      %cond3A_138 = arith.constant 0 : i32
      %cond3A_139 = arith.cmpi ne, %convert_element_type3A_137, %cond3A_138 : i32
      scf.if %cond3A_139 {
        %add3A_164 = arith.constant 4 : i32
        %add3A_165 = arith.addi %add3A_119, %add3A_164 : i32
        %dma_start3A_166 = arith.constant 2 : i32
        %dma_start3A_167 = arith.constant 2 : i32
        %dma_start3A_168 = arith.constant 0 : i32
        %dma_start3A_169 = arith.constant 0 : i32
        %dma_start3A_170 = tpu.memref_slice %arg9[%dma_start3A_166, %dma_start3A_168, %dma_start3A_169] : memref<4x128x16xf32, #tpu.memory_space<vmem>> -> memref<1x128x16xf32, #tpu.memory_space<vmem>>
        %dma_start3A_171 = tpu.memref_squeeze %dma_start3A_170 : memref<1x128x16xf32, #tpu.memory_space<vmem>> -> memref<128x16xf32, #tpu.memory_space<vmem>>
        %dma_start3A_172 = arith.constant 0 : i32
        %dma_start3A_173 = tpu.memref_slice %arg7[%add3A_165, %dma_start3A_172] : memref<80x128xi32, #tpu.memory_space<vmem>> -> memref<1x128xi32, #tpu.memory_space<vmem>>
        %dma_start3A_174 = tpu.memref_squeeze %dma_start3A_173 : memref<1x128xi32, #tpu.memory_space<vmem>> -> memref<128xi32, #tpu.memory_space<vmem>>
        %dma_start3A_175 = arith.constant 0 : i32
        %dma_start3A_176 = arith.constant 0 : i32
        %dma_start3A_177 = tpu.memref_slice %arg2[%dma_start3A_175, %dma_start3A_176] : memref<10000x16xf32, #tpu.memory_space<hbm>> -> memref<10000x16xf32, #tpu.memory_space<hbm>>
        %dma_start3A_178 = tpu.memref_slice %arg11[%dma_start3A_167] : memref<4x!tpu.dma_semaphore, #tpu.memory_space<semaphore_mem>> -> memref<1x!tpu.dma_semaphore, #tpu.memory_space<semaphore_mem>>
        %dma_start3A_179 = tpu.memref_squeeze %dma_start3A_178 : memref<1x!tpu.dma_semaphore, #tpu.memory_space<semaphore_mem>> -> memref<!tpu.dma_semaphore, #tpu.memory_space<semaphore_mem>>
        tpu.enqueue_indirect_dma source(%dma_start3A_177 : memref<10000x16xf32, #tpu.memory_space<hbm>>) target(%dma_start3A_171 : memref<128x16xf32, #tpu.memory_space<vmem>>) offsets(%dma_start3A_174 : memref<128xi32, #tpu.memory_space<vmem>>) semaphore(%dma_start3A_179 : memref<!tpu.dma_semaphore, #tpu.memory_space<semaphore_mem>>)
      } else {
      }
      %mul3A_140 = arith.constant 4 : i32
      %mul3A_141 = arith.muli %scan3A_72, %mul3A_140 : i32
      %add3A_142 = arith.constant 3 : i32
      %add3A_143 = arith.addi %mul3A_141, %add3A_142 : i32
      %dma_wait3A_144 = arith.constant 3 : i32
      %dma_wait3A_145 = arith.constant 3 : i32
      %dma_wait3A_146 = arith.constant 0 : i32
      %dma_wait3A_147 = arith.constant 0 : i32
      %dma_wait3A_148 = tpu.memref_slice %arg9[%dma_wait3A_144, %dma_wait3A_146, %dma_wait3A_147] : memref<4x128x16xf32, #tpu.memory_space<vmem>> -> memref<1x128x16xf32, #tpu.memory_space<vmem>>
      %dma_wait3A_149 = tpu.memref_squeeze %dma_wait3A_148 : memref<1x128x16xf32, #tpu.memory_space<vmem>> -> memref<128x16xf32, #tpu.memory_space<vmem>>
      %dma_wait3A_150 = arith.constant 0 : i32
      %dma_wait3A_151 = tpu.memref_slice %arg7[%add3A_143, %dma_wait3A_150] : memref<80x128xi32, #tpu.memory_space<vmem>> -> memref<1x128xi32, #tpu.memory_space<vmem>>
      %dma_wait3A_152 = tpu.memref_squeeze %dma_wait3A_151 : memref<1x128xi32, #tpu.memory_space<vmem>> -> memref<128xi32, #tpu.memory_space<vmem>>
      %dma_wait3A_153 = arith.constant 0 : i32
      %dma_wait3A_154 = arith.constant 0 : i32
      %dma_wait3A_155 = tpu.memref_slice %arg2[%dma_wait3A_153, %dma_wait3A_154] : memref<10000x16xf32, #tpu.memory_space<hbm>> -> memref<10000x16xf32, #tpu.memory_space<hbm>>
      %dma_wait3A_156 = tpu.memref_slice %arg11[%dma_wait3A_145] : memref<4x!tpu.dma_semaphore, #tpu.memory_space<semaphore_mem>> -> memref<1x!tpu.dma_semaphore, #tpu.memory_space<semaphore_mem>>
      %dma_wait3A_157 = tpu.memref_squeeze %dma_wait3A_156 : memref<1x!tpu.dma_semaphore, #tpu.memory_space<semaphore_mem>> -> memref<!tpu.dma_semaphore, #tpu.memory_space<semaphore_mem>>
      tpu.wait_indirect_dma semaphore(%dma_wait3A_157 : memref<!tpu.dma_semaphore, #tpu.memory_space<semaphore_mem>>) src(%dma_wait3A_155 : memref<10000x16xf32, #tpu.memory_space<hbm>>) dst(%dma_wait3A_149 : memref<128x16xf32, #tpu.memory_space<vmem>>)
      %run_scoped3A_158 = arith.constant 3 : i32
      "tpu.region"() ({
        %run_scoped3A_164 = tpu.sem_alloc : memref<!tpu.dma_semaphore, #tpu.memory_space<semaphore_mem>>
        %dma_start3A_165 = arith.constant 0 : i32
        %dma_start3A_166 = arith.constant 0 : i32
        %dma_start3A_167 = tpu.memref_slice %arg9[%run_scoped3A_158, %dma_start3A_165, %dma_start3A_166] : memref<4x128x16xf32, #tpu.memory_space<vmem>> -> memref<1x128x16xf32, #tpu.memory_space<vmem>>
        %dma_start3A_168 = tpu.memref_squeeze %dma_start3A_167 : memref<1x128x16xf32, #tpu.memory_space<vmem>> -> memref<128x16xf32, #tpu.memory_space<vmem>>
        %dma_start3A_169 = arith.constant 0 : i32
        %dma_start3A_170 = tpu.memref_slice %arg8[%add3A_143, %dma_start3A_169] : memref<80x128xi32, #tpu.memory_space<vmem>> -> memref<1x128xi32, #tpu.memory_space<vmem>>
        %dma_start3A_171 = tpu.memref_squeeze %dma_start3A_170 : memref<1x128xi32, #tpu.memory_space<vmem>> -> memref<128xi32, #tpu.memory_space<vmem>>
        %dma_start3A_172 = arith.constant 0 : i32
        %dma_start3A_173 = arith.constant 0 : i32
        %dma_start3A_174 = tpu.memref_slice %arg10[%dma_start3A_172, %dma_start3A_173] : memref<10240x16xf32, #tpu.memory_space<vmem_shared>> -> memref<10240x16xf32, #tpu.memory_space<vmem_shared>>
        tpu.enqueue_indirect_dma source(%dma_start3A_168 : memref<128x16xf32, #tpu.memory_space<vmem>>) target(%dma_start3A_174 : memref<10240x16xf32, #tpu.memory_space<vmem_shared>>) offsets(%dma_start3A_171 : memref<128xi32, #tpu.memory_space<vmem>>) semaphore(%run_scoped3A_164 : memref<!tpu.dma_semaphore, #tpu.memory_space<semaphore_mem>>) {add = true}
        %dma_wait3A_175 = arith.constant 0 : i32
        %dma_wait3A_176 = arith.constant 0 : i32
        %dma_wait3A_177 = tpu.memref_slice %arg9[%run_scoped3A_158, %dma_wait3A_175, %dma_wait3A_176] : memref<4x128x16xf32, #tpu.memory_space<vmem>> -> memref<1x128x16xf32, #tpu.memory_space<vmem>>
        %dma_wait3A_178 = tpu.memref_squeeze %dma_wait3A_177 : memref<1x128x16xf32, #tpu.memory_space<vmem>> -> memref<128x16xf32, #tpu.memory_space<vmem>>
        %dma_wait3A_179 = arith.constant 0 : i32
        %dma_wait3A_180 = tpu.memref_slice %arg8[%add3A_143, %dma_wait3A_179] : memref<80x128xi32, #tpu.memory_space<vmem>> -> memref<1x128xi32, #tpu.memory_space<vmem>>
        %dma_wait3A_181 = tpu.memref_squeeze %dma_wait3A_180 : memref<1x128xi32, #tpu.memory_space<vmem>> -> memref<128xi32, #tpu.memory_space<vmem>>
        %dma_wait3A_182 = arith.constant 0 : i32
        %dma_wait3A_183 = arith.constant 0 : i32
        %dma_wait3A_184 = tpu.memref_slice %arg10[%dma_wait3A_182, %dma_wait3A_183] : memref<10240x16xf32, #tpu.memory_space<vmem_shared>> -> memref<10240x16xf32, #tpu.memory_space<vmem_shared>>
        tpu.wait_indirect_dma semaphore(%run_scoped3A_164 : memref<!tpu.dma_semaphore, #tpu.memory_space<semaphore_mem>>) src(%dma_wait3A_178 : memref<128x16xf32, #tpu.memory_space<vmem>>) dst(%dma_wait3A_184 : memref<10240x16xf32, #tpu.memory_space<vmem_shared>>)
        tpu.yield
      }) : () -> ()
      %lt3A_159 = arith.constant 19 : i32
      %lt3A_160 = arith.cmpi slt, %scan3A_72, %lt3A_159 : i32
      %convert_element_type3A_161 = arith.extui %lt3A_160 : i1 to i32
      %cond3A_162 = arith.constant 0 : i32
      %cond3A_163 = arith.cmpi ne, %convert_element_type3A_161, %cond3A_162 : i32
      scf.if %cond3A_163 {
        %add3A_164 = arith.constant 4 : i32
        %add3A_165 = arith.addi %add3A_143, %add3A_164 : i32
        %dma_start3A_166 = arith.constant 3 : i32
        %dma_start3A_167 = arith.constant 3 : i32
        %dma_start3A_168 = arith.constant 0 : i32
        %dma_start3A_169 = arith.constant 0 : i32
        %dma_start3A_170 = tpu.memref_slice %arg9[%dma_start3A_166, %dma_start3A_168, %dma_start3A_169] : memref<4x128x16xf32, #tpu.memory_space<vmem>> -> memref<1x128x16xf32, #tpu.memory_space<vmem>>
        %dma_start3A_171 = tpu.memref_squeeze %dma_start3A_170 : memref<1x128x16xf32, #tpu.memory_space<vmem>> -> memref<128x16xf32, #tpu.memory_space<vmem>>
        %dma_start3A_172 = arith.constant 0 : i32
        %dma_start3A_173 = tpu.memref_slice %arg7[%add3A_165, %dma_start3A_172] : memref<80x128xi32, #tpu.memory_space<vmem>> -> memref<1x128xi32, #tpu.memory_space<vmem>>
        %dma_start3A_174 = tpu.memref_squeeze %dma_start3A_173 : memref<1x128xi32, #tpu.memory_space<vmem>> -> memref<128xi32, #tpu.memory_space<vmem>>
        %dma_start3A_175 = arith.constant 0 : i32
        %dma_start3A_176 = arith.constant 0 : i32
        %dma_start3A_177 = tpu.memref_slice %arg2[%dma_start3A_175, %dma_start3A_176] : memref<10000x16xf32, #tpu.memory_space<hbm>> -> memref<10000x16xf32, #tpu.memory_space<hbm>>
        %dma_start3A_178 = tpu.memref_slice %arg11[%dma_start3A_167] : memref<4x!tpu.dma_semaphore, #tpu.memory_space<semaphore_mem>> -> memref<1x!tpu.dma_semaphore, #tpu.memory_space<semaphore_mem>>
        %dma_start3A_179 = tpu.memref_squeeze %dma_start3A_178 : memref<1x!tpu.dma_semaphore, #tpu.memory_space<semaphore_mem>> -> memref<!tpu.dma_semaphore, #tpu.memory_space<semaphore_mem>>
        tpu.enqueue_indirect_dma source(%dma_start3A_177 : memref<10000x16xf32, #tpu.memory_space<hbm>>) target(%dma_start3A_171 : memref<128x16xf32, #tpu.memory_space<vmem>>) offsets(%dma_start3A_174 : memref<128xi32, #tpu.memory_space<vmem>>) semaphore(%dma_start3A_179 : memref<!tpu.dma_semaphore, #tpu.memory_space<semaphore_mem>>)
      } else {
      }
    }
    %scan3A_66 = arith.constant 20 : i32
    %barrier3A_67 = arith.constant 0 : index
    tpu.barrier barrier_id(%barrier3A_67)
    %mul3A_68 = arith.constant 640 : i32
    %mul3A_69 = arith.muli %arg1, %mul3A_68 : i32
    %mul3A_70 = arith.constant 640 : i32
    %mul3A_71 = arith.muli %arg1, %mul3A_70 : i32
    "tpu.region"() ({
      %run_scoped3A = tpu.sem_alloc : memref<!tpu.dma_semaphore, #tpu.memory_space<semaphore_mem>>
      %dma_start3A_72 = arith.constant 0 : i32
      %dma_start3A_73 = tpu.memref_slice %arg6[%arg0, %mul3A_71, %dma_start3A_72] : memref<2x10240x16xf32, #tpu.memory_space<hbm>> -> memref<1x640x16xf32, #tpu.memory_space<hbm>>
      %dma_start3A_74 = tpu.memref_squeeze %dma_start3A_73 : memref<1x640x16xf32, #tpu.memory_space<hbm>> -> memref<640x16xf32, #tpu.memory_space<hbm>>
      %dma_start3A_75 = arith.constant 0 : i32
      %dma_start3A_76 = tpu.memref_slice %arg10[%mul3A_69, %dma_start3A_75] : memref<10240x16xf32, #tpu.memory_space<vmem_shared>> -> memref<640x16xf32, #tpu.memory_space<vmem_shared>>
      tpu.enqueue_dma source(%dma_start3A_76 : memref<640x16xf32, #tpu.memory_space<vmem_shared>>) target(%dma_start3A_74 : memref<640x16xf32, #tpu.memory_space<hbm>>) target_semaphore(%run_scoped3A : memref<!tpu.dma_semaphore, #tpu.memory_space<semaphore_mem>>)
      %dma_wait3A = arith.constant 0 : i32
      %dma_wait3A_77 = tpu.memref_slice %arg6[%arg0, %mul3A_71, %dma_wait3A] : memref<2x10240x16xf32, #tpu.memory_space<hbm>> -> memref<1x640x16xf32, #tpu.memory_space<hbm>>
      %dma_wait3A_78 = tpu.memref_squeeze %dma_wait3A_77 : memref<1x640x16xf32, #tpu.memory_space<hbm>> -> memref<640x16xf32, #tpu.memory_space<hbm>>
      %dma_wait3A_79 = arith.constant 0 : i32
      %dma_wait3A_80 = tpu.memref_slice %arg10[%mul3A_69, %dma_wait3A_79] : memref<10240x16xf32, #tpu.memory_space<vmem_shared>> -> memref<640x16xf32, #tpu.memory_space<vmem_shared>>
      tpu.wait_dma2 semaphore(%run_scoped3A : memref<!tpu.dma_semaphore, #tpu.memory_space<semaphore_mem>>) src(%dma_wait3A_80 : memref<640x16xf32, #tpu.memory_space<vmem_shared>>) dst(%dma_wait3A_78 : memref<640x16xf32, #tpu.memory_space<hbm>>)
      tpu.yield
    }) : () -> ()
    return
  }
}

module attributes {stable_mosaic.version = 14 : i64} {
  func.func @_tc1_body(%arg0: i32, %arg1: memref<1000x128xf32, #tpu.memory_space<vmem>>, %arg2: memref<128x16xf32, #tpu.memory_space<vmem>>, %arg3: memref<1000x16xf32, #tpu.memory_space<vmem>>, %arg4: memref<1000x16xf32, #tpu.memory_space<vmem>>, %arg5: memref<1000x16xf32, #tpu.memory_space<vmem>>) attributes {dimension_semantics = [#tpu.dimension_semantics<arbitrary>], iteration_bounds = array<i64: 10>, scalar_prefetch = 0 : i64, scratch_operands = 0 : i64, tpu.core_type = #tpu.core_type<tc>, window_params = [{transform_indices = @transform_0, window_bounds = array<i64: 1000, 128>}, {pipeline_mode = #tpu.pipeline_mode<synchronous>, transform_indices = @transform_1, window_bounds = array<i64: 128, 16>}, {transform_indices = @transform_2, window_bounds = array<i64: 1000, 16>}, {transform_indices = @transform_3, window_bounds = array<i64: 1000, 16>}, {transform_indices = @transform_4, window_bounds = array<i64: 1000, 16>}]} {
    %get3A = arith.constant 0 : index
    %get3A_0 = arith.constant 0 : index
    %get3A_1 = vector.load %arg3[%get3A, %get3A_0] : memref<1000x16xf32, #tpu.memory_space<vmem>>, vector<1000x1xf32>
    %get3A_2 = arith.constant 0 : index
    %get3A_3 = arith.constant 0 : index
    %get3A_4 = vector.load %arg4[%get3A_2, %get3A_3] : memref<1000x16xf32, #tpu.memory_space<vmem>>, vector<1000x1xf32>
    %add3A = arith.addf %get3A_1, %get3A_4 : vector<1000x1xf32>
    %add3A_5 = arith.constant 1.000000e+00 : f32
    %add3A_6 = vector.broadcast %add3A_5 : f32 to vector<1000x1xf32>
    %add3A_7 = arith.addf %add3A, %add3A_6 : vector<1000x1xf32>
    %rsqrt3A = math.rsqrt %add3A_7 : vector<1000x1xf32>
    %get3A_8 = arith.constant 0 : index
    %get3A_9 = arith.constant 0 : index
    %get3A_10 = vector.load %arg1[%get3A_8, %get3A_9] : memref<1000x128xf32, #tpu.memory_space<vmem>>, vector<1000x128xf32>
    %get3A_11 = arith.constant 0 : index
    %get3A_12 = arith.constant 0 : index
    %get3A_13 = vector.load %arg2[%get3A_11, %get3A_12] : memref<128x16xf32, #tpu.memory_space<vmem>>, vector<128x16xf32>
    %dot_general3A = arith.constant dense<0.000000e+00> : vector<1000x16xf32>
    %dot_general3A_14 = tpu.matmul %get3A_10, %get3A_13, %dot_general3A {dimension_numbers = #tpu.dot_dimension_numbers<[1], [0], [0], [1], [0, 0, 1, 1], [], []>, transpose_lhs_hint = false} : vector<1000x128xf32>, vector<128x16xf32>, vector<1000x16xf32> -> vector<1000x16xf32>
    %mul3A = vector.broadcast %rsqrt3A : vector<1000x1xf32> to vector<1000x16xf32>
    %mul3A_15 = arith.mulf %dot_general3A_14, %mul3A : vector<1000x16xf32>
    %swap3A = arith.constant 0 : index
    %swap3A_16 = arith.constant 0 : index
    %swap3A_17 = vector.load %arg5[%swap3A, %swap3A_16] : memref<1000x16xf32, #tpu.memory_space<vmem>>, vector<1000x16xf32>
    tpu.vector_store %arg5[%swap3A, %swap3A_16], %mul3A_15 {strides = array<i32>} : memref<1000x16xf32, #tpu.memory_space<vmem>>, vector<1000x16xf32>,
    return
  }
  func.func @transform_0(%arg0: i32) -> (i32, i32) {
    %c0_i32 = arith.constant 0 : i32
    %c0_i32_0 = arith.constant 0 : i32
    return %arg0, %c0_i32 : i32, i32
  }
  func.func @transform_1(%arg0: i32) -> (i32, i32) {
    %c0_i32 = arith.constant 0 : i32
    %c0_i32_0 = arith.constant 0 : i32
    %c0_i32_1 = arith.constant 0 : i32
    return %c0_i32, %c0_i32_0 : i32, i32
  }
  func.func @transform_2(%arg0: i32) -> (i32, i32) {
    %c0_i32 = arith.constant 0 : i32
    %c0_i32_0 = arith.constant 0 : i32
    return %arg0, %c0_i32 : i32, i32
  }
  func.func @transform_3(%arg0: i32) -> (i32, i32) {
    %c0_i32 = arith.constant 0 : i32
    %c0_i32_0 = arith.constant 0 : i32
    return %arg0, %c0_i32 : i32, i32
  }
  func.func @transform_4(%arg0: i32) -> (i32, i32) {
    %c0_i32 = arith.constant 0 : i32
    %c0_i32_0 = arith.constant 0 : i32
    return %arg0, %c0_i32 : i32, i32
  }
}

module attributes {stable_mosaic.version = 14 : i64} {
  func.func @_tc2_body(%arg0: i32, %arg1: memref<1000x16xf32, #tpu.memory_space<vmem>>, %arg2: memref<1000x16xf32, #tpu.memory_space<vmem>>, %arg3: memref<1000x16xf32, #tpu.memory_space<vmem>>, %arg4: memref<1000x16xf32, #tpu.memory_space<vmem>>, %arg5: memref<1000x16xf32, #tpu.memory_space<vmem>>, %arg6: memref<16x40xf32, #tpu.memory_space<vmem>>, %arg7: memref<1x16xf32, #tpu.memory_space<vmem>>, %arg8: memref<1000x40xf32, #tpu.memory_space<vmem>>) attributes {dimension_semantics = [#tpu.dimension_semantics<arbitrary>], iteration_bounds = array<i64: 10>, scalar_prefetch = 0 : i64, scratch_operands = 0 : i64, tpu.core_type = #tpu.core_type<tc>, window_params = [{transform_indices = @transform_0, window_bounds = array<i64: 1000, 16>}, {transform_indices = @transform_1, window_bounds = array<i64: 1000, 16>}, {transform_indices = @transform_2, window_bounds = array<i64: 1000, 16>}, {transform_indices = @transform_3, window_bounds = array<i64: 1000, 16>}, {transform_indices = @transform_4, window_bounds = array<i64: 1000, 16>}, {pipeline_mode = #tpu.pipeline_mode<synchronous>, transform_indices = @transform_5, window_bounds = array<i64: 16, 40>}, {pipeline_mode = #tpu.pipeline_mode<synchronous>, transform_indices = @transform_6, window_bounds = array<i64: 1, 16>}, {transform_indices = @transform_7, window_bounds = array<i64: 1000, 40>}]} {
    %get3A = arith.constant 0 : index
    %get3A_0 = arith.constant 0 : index
    %get3A_1 = vector.load %arg4[%get3A, %get3A_0] : memref<1000x16xf32, #tpu.memory_space<vmem>>, vector<1000x1xf32>
    %get3A_2 = arith.constant 0 : index
    %get3A_3 = arith.constant 0 : index
    %get3A_4 = vector.load %arg5[%get3A_2, %get3A_3] : memref<1000x16xf32, #tpu.memory_space<vmem>>, vector<1000x1xf32>
    %add3A = arith.addf %get3A_1, %get3A_4 : vector<1000x1xf32>
    %add3A_5 = arith.constant 1.000000e+00 : f32
    %add3A_6 = vector.broadcast %add3A_5 : f32 to vector<1000x1xf32>
    %add3A_7 = arith.addf %add3A, %add3A_6 : vector<1000x1xf32>
    %rsqrt3A = math.rsqrt %add3A_7 : vector<1000x1xf32>
    %get3A_8 = arith.constant 0 : index
    %get3A_9 = arith.constant 0 : index
    %get3A_10 = vector.load %arg1[%get3A_8, %get3A_9] : memref<1000x16xf32, #tpu.memory_space<vmem>>, vector<1000x16xf32>
    %get3A_11 = arith.constant 0 : index
    %get3A_12 = arith.constant 0 : index
    %get3A_13 = vector.load %arg2[%get3A_11, %get3A_12] : memref<1000x16xf32, #tpu.memory_space<vmem>>, vector<1000x16xf32>
    %add3A_14 = arith.addf %get3A_10, %get3A_13 : vector<1000x16xf32>
    %get3A_15 = arith.constant 0 : index
    %get3A_16 = arith.constant 0 : index
    %get3A_17 = vector.load %arg3[%get3A_15, %get3A_16] : memref<1000x16xf32, #tpu.memory_space<vmem>>, vector<1000x16xf32>
    %add3A_18 = arith.addf %add3A_14, %get3A_17 : vector<1000x16xf32>
    %mul3A = vector.broadcast %rsqrt3A : vector<1000x1xf32> to vector<1000x16xf32>
    %mul3A_19 = arith.mulf %add3A_18, %mul3A : vector<1000x16xf32>
    %get3A_20 = arith.constant 0 : index
    %get3A_21 = arith.constant 0 : index
    %get3A_22 = vector.load %arg7[%get3A_20, %get3A_21] : memref<1x16xf32, #tpu.memory_space<vmem>>, vector<1x16xf32>
    %add3A_23 = vector.broadcast %get3A_22 : vector<1x16xf32> to vector<1000x16xf32>
    %add3A_24 = arith.addf %mul3A_19, %add3A_23 : vector<1000x16xf32>
    %max3A = arith.constant 0.000000e+00 : f32
    %max3A_25 = vector.broadcast %max3A : f32 to vector<1000x16xf32>
    %max3A_26 = arith.maximumf %add3A_24, %max3A_25 : vector<1000x16xf32>
    %get3A_27 = arith.constant 0 : index
    %get3A_28 = arith.constant 0 : index
    %get3A_29 = vector.load %arg6[%get3A_27, %get3A_28] : memref<16x40xf32, #tpu.memory_space<vmem>>, vector<16x40xf32>
    %dot_general3A = arith.constant dense<0.000000e+00> : vector<1000x40xf32>
    %dot_general3A_30 = tpu.matmul %max3A_26, %get3A_29, %dot_general3A {dimension_numbers = #tpu.dot_dimension_numbers<[1], [0], [0], [1], [0, 0, 1, 1], [], []>, transpose_lhs_hint = false} : vector<1000x16xf32>, vector<16x40xf32>, vector<1000x40xf32> -> vector<1000x40xf32>
    %mul3A_31 = vector.broadcast %rsqrt3A : vector<1000x1xf32> to vector<1000x40xf32>
    %mul3A_32 = arith.mulf %dot_general3A_30, %mul3A_31 : vector<1000x40xf32>
    %swap3A = arith.constant 0 : index
    %swap3A_33 = arith.constant 0 : index
    %swap3A_34 = vector.load %arg8[%swap3A, %swap3A_33] : memref<1000x40xf32, #tpu.memory_space<vmem>>, vector<1000x40xf32>
    tpu.vector_store %arg8[%swap3A, %swap3A_33], %mul3A_32 {strides = array<i32>} : memref<1000x40xf32, #tpu.memory_space<vmem>>, vector<1000x40xf32>,
    return
  }
  func.func @transform_0(%arg0: i32) -> (i32, i32) {
    %c0_i32 = arith.constant 0 : i32
    %c0_i32_0 = arith.constant 0 : i32
    return %arg0, %c0_i32 : i32, i32
  }
  func.func @transform_1(%arg0: i32) -> (i32, i32) {
    %c0_i32 = arith.constant 0 : i32
    %c0_i32_0 = arith.constant 0 : i32
    return %arg0, %c0_i32 : i32, i32
  }
  func.func @transform_2(%arg0: i32) -> (i32, i32) {
    %c0_i32 = arith.constant 0 : i32
    %c0_i32_0 = arith.constant 0 : i32
    return %arg0, %c0_i32 : i32, i32
  }
  func.func @transform_3(%arg0: i32) -> (i32, i32) {
    %c0_i32 = arith.constant 0 : i32
    %c0_i32_0 = arith.constant 0 : i32
    return %arg0, %c0_i32 : i32, i32
  }
  func.func @transform_4(%arg0: i32) -> (i32, i32) {
    %c0_i32 = arith.constant 0 : i32
    %c0_i32_0 = arith.constant 0 : i32
    return %arg0, %c0_i32 : i32, i32
  }
  func.func @transform_5(%arg0: i32) -> (i32, i32) {
    %c0_i32 = arith.constant 0 : i32
    %c0_i32_0 = arith.constant 0 : i32
    %c0_i32_1 = arith.constant 0 : i32
    return %c0_i32, %c0_i32_0 : i32, i32
  }
  func.func @transform_6(%arg0: i32) -> (i32, i32) {
    %c0_i32 = arith.constant 0 : i32
    %c0_i32_0 = arith.constant 0 : i32
    %c0_i32_1 = arith.constant 0 : i32
    return %c0_i32, %c0_i32_0 : i32, i32
  }
  func.func @transform_7(%arg0: i32) -> (i32, i32) {
    %c0_i32 = arith.constant 0 : i32
    %c0_i32_0 = arith.constant 0 : i32
    return %arg0, %c0_i32 : i32, i32
  }
}

module attributes {stable_mosaic.version = 14 : i64} {
  func.func @_tc3_body(%arg0: i32, %arg1: memref<1000x40xf32, #tpu.memory_space<vmem>>, %arg2: memref<1000x40xf32, #tpu.memory_space<vmem>>, %arg3: memref<1000x40xf32, #tpu.memory_space<vmem>>, %arg4: memref<1000x16xf32, #tpu.memory_space<vmem>>, %arg5: memref<1000x16xf32, #tpu.memory_space<vmem>>, %arg6: memref<1x40xf32, #tpu.memory_space<vmem>>, %arg7: memref<1000x40xf32, #tpu.memory_space<vmem>>) attributes {dimension_semantics = [#tpu.dimension_semantics<arbitrary>], iteration_bounds = array<i64: 10>, scalar_prefetch = 0 : i64, scratch_operands = 0 : i64, tpu.core_type = #tpu.core_type<tc>, window_params = [{transform_indices = @transform_0, window_bounds = array<i64: 1000, 40>}, {transform_indices = @transform_1, window_bounds = array<i64: 1000, 40>}, {transform_indices = @transform_2, window_bounds = array<i64: 1000, 40>}, {transform_indices = @transform_3, window_bounds = array<i64: 1000, 16>}, {transform_indices = @transform_4, window_bounds = array<i64: 1000, 16>}, {pipeline_mode = #tpu.pipeline_mode<synchronous>, transform_indices = @transform_5, window_bounds = array<i64: 1, 40>}, {transform_indices = @transform_6, window_bounds = array<i64: 1000, 40>}]} {
    %get3A = arith.constant 0 : index
    %get3A_0 = arith.constant 0 : index
    %get3A_1 = vector.load %arg4[%get3A, %get3A_0] : memref<1000x16xf32, #tpu.memory_space<vmem>>, vector<1000x1xf32>
    %get3A_2 = arith.constant 0 : index
    %get3A_3 = arith.constant 0 : index
    %get3A_4 = vector.load %arg5[%get3A_2, %get3A_3] : memref<1000x16xf32, #tpu.memory_space<vmem>>, vector<1000x1xf32>
    %add3A = arith.addf %get3A_1, %get3A_4 : vector<1000x1xf32>
    %add3A_5 = arith.constant 1.000000e+00 : f32
    %add3A_6 = vector.broadcast %add3A_5 : f32 to vector<1000x1xf32>
    %add3A_7 = arith.addf %add3A, %add3A_6 : vector<1000x1xf32>
    %rsqrt3A = math.rsqrt %add3A_7 : vector<1000x1xf32>
    %get3A_8 = arith.constant 0 : index
    %get3A_9 = arith.constant 0 : index
    %get3A_10 = vector.load %arg1[%get3A_8, %get3A_9] : memref<1000x40xf32, #tpu.memory_space<vmem>>, vector<1000x40xf32>
    %get3A_11 = arith.constant 0 : index
    %get3A_12 = arith.constant 0 : index
    %get3A_13 = vector.load %arg2[%get3A_11, %get3A_12] : memref<1000x40xf32, #tpu.memory_space<vmem>>, vector<1000x40xf32>
    %add3A_14 = arith.addf %get3A_10, %get3A_13 : vector<1000x40xf32>
    %get3A_15 = arith.constant 0 : index
    %get3A_16 = arith.constant 0 : index
    %get3A_17 = vector.load %arg3[%get3A_15, %get3A_16] : memref<1000x40xf32, #tpu.memory_space<vmem>>, vector<1000x40xf32>
    %add3A_18 = arith.addf %add3A_14, %get3A_17 : vector<1000x40xf32>
    %mul3A = vector.broadcast %rsqrt3A : vector<1000x1xf32> to vector<1000x40xf32>
    %mul3A_19 = arith.mulf %add3A_18, %mul3A : vector<1000x40xf32>
    %get3A_20 = arith.constant 0 : index
    %get3A_21 = arith.constant 0 : index
    %get3A_22 = vector.load %arg6[%get3A_20, %get3A_21] : memref<1x40xf32, #tpu.memory_space<vmem>>, vector<1x40xf32>
    %add3A_23 = vector.broadcast %get3A_22 : vector<1x40xf32> to vector<1000x40xf32>
    %add3A_24 = arith.addf %mul3A_19, %add3A_23 : vector<1000x40xf32>
    %reduce_max3A = arith.constant dense<0xFF800000> : vector<1000xf32>
    %reduce_max3A_25 = vector.multi_reduction <maximumf>, %add3A_24, %reduce_max3A [1] : vector<1000x40xf32> to vector<1000xf32>
    %broadcast_in_dim3A = vector.shape_cast %reduce_max3A_25 : vector<1000xf32> to vector<1000x1xf32>
    %sub3A = vector.broadcast %broadcast_in_dim3A : vector<1000x1xf32> to vector<1000x40xf32>
    %sub3A_26 = arith.subf %add3A_24, %sub3A : vector<1000x40xf32>
    %exp3A = math.exp %sub3A_26 : vector<1000x40xf32>
    %reduce_sum3A = arith.constant dense<0.000000e+00> : vector<1000xf32>
    %reduce_sum3A_27 = vector.multi_reduction <add>, %exp3A, %reduce_sum3A [1] : vector<1000x40xf32> to vector<1000xf32>
    %broadcast_in_dim3A_28 = vector.shape_cast %reduce_sum3A_27 : vector<1000xf32> to vector<1000x1xf32>
    %log3A = math.log %broadcast_in_dim3A_28 : vector<1000x1xf32>
    %add3A_29 = arith.addf %log3A, %broadcast_in_dim3A : vector<1000x1xf32>
    %sub3A_30 = vector.broadcast %add3A_29 : vector<1000x1xf32> to vector<1000x40xf32>
    %sub3A_31 = arith.subf %add3A_24, %sub3A_30 : vector<1000x40xf32>
    %swap3A = arith.constant 0 : index
    %swap3A_32 = arith.constant 0 : index
    %swap3A_33 = vector.load %arg7[%swap3A, %swap3A_32] : memref<1000x40xf32, #tpu.memory_space<vmem>>, vector<1000x40xf32>
    tpu.vector_store %arg7[%swap3A, %swap3A_32], %sub3A_31 {strides = array<i32>} : memref<1000x40xf32, #tpu.memory_space<vmem>>, vector<1000x40xf32>,
    return
  }
  func.func @transform_0(%arg0: i32) -> (i32, i32) {
    %c0_i32 = arith.constant 0 : i32
    %c0_i32_0 = arith.constant 0 : i32
    return %arg0, %c0_i32 : i32, i32
  }
  func.func @transform_1(%arg0: i32) -> (i32, i32) {
    %c0_i32 = arith.constant 0 : i32
    %c0_i32_0 = arith.constant 0 : i32
    return %arg0, %c0_i32 : i32, i32
  }
  func.func @transform_2(%arg0: i32) -> (i32, i32) {
    %c0_i32 = arith.constant 0 : i32
    %c0_i32_0 = arith.constant 0 : i32
    return %arg0, %c0_i32 : i32, i32
  }
  func.func @transform_3(%arg0: i32) -> (i32, i32) {
    %c0_i32 = arith.constant 0 : i32
    %c0_i32_0 = arith.constant 0 : i32
    return %arg0, %c0_i32 : i32, i32
  }
  func.func @transform_4(%arg0: i32) -> (i32, i32) {
    %c0_i32 = arith.constant 0 : i32
    %c0_i32_0 = arith.constant 0 : i32
    return %arg0, %c0_i32 : i32, i32
  }
  func.func @transform_5(%arg0: i32) -> (i32, i32) {
    %c0_i32 = arith.constant 0 : i32
    %c0_i32_0 = arith.constant 0 : i32
    %c0_i32_1 = arith.constant 0 : i32
    return %c0_i32, %c0_i32_0 : i32, i32
  }
  func.func @transform_6(%arg0: i32) -> (i32, i32) {
    %c0_i32 = arith.constant 0 : i32
    %c0_i32_0 = arith.constant 0 : i32
    return %arg0, %c0_i32 : i32, i32
  }
}

</mosaic_0001>

<sc_bundles>
// kernel: kernel.11.cloned.1.call-start
scs
__scs_entry_jumppad:
0x0: {  	(pc) =	sbr.rel $0x88, $3  }
0x1: {  	(tag) =	ssettag $0x0;
	lr =	simm.s32 $0x1  }
0x2: {  	[smem:$0x3F9B] =	sst lr;
	_ =	strace $0xD0000000  }
0x3: {  	_ = 	snop  }
0x4: {  	_ = 	snop  }
0x5: {  	_ = 	snop  }
0x6: {  	_ = 	snop  }
0x7: {  	_ = 	snop  }
__scs_overlays_trampoline_lowered:
0x8: {  	[smem:$0x3FAA] =	sst s0  }
0x9: {  	[smem:$0x3FAB] =	sst s1  }
0xa: {  	[smem:$0x3FAC] =	sst s2  }
0xb: {  	[smem:$0x3FAD] =	sst s3  }
0xc: {  	[smem:$0x3FAE] =	sst s4  }
0xd: {  	[smem:$0x3FAF] =	sst s5  }
0xe: {  	[smem:$0x3FB0] =	sst s6  }
0xf: {  	[smem:$0x3FB1] =	sst s7  }
0x10: {  	[smem:$0x3FB2] =	sst s8  }
0x11: {  	[smem:$0x3FB3] =	sst s9;
	s0 =	simm.s32 @!p0 $0x0  }
0x12: {  	s1 =	sld [smem:$0x3F99];
	s0 =	simm.s32 @p0 $0x1  }
0x13: {  	[smem:$0x3FB4] =	sst s0;
	s0 =	simm.s32 @!p1 $0x0  }
0x14: {  	s2 =	sld [smem:$0x3F98];
	s0 =	simm.s32 @p1 $0x1  }
0x15: {  	[smem:$0x3FB5] =	sst s0;
	s0 =	simm.s32 @!p2 $0x0  }
0x16: {  	s3 =	sld [smem:$0x3FDB];
	s0 =	simm.s32 @p2 $0x1  }
0x17: {  	s4 =	simm.s32 $0x1BF5;
	[smem:$0x3FB7] =	sst s0  }
0x18: {  	s0 =	sld [smem:$0x3F9A];
	_ =	swait.ge [sflag:s4], $0x0  }
0x19: {  	s7 =	sld [smem:$0x3F9B]  }
0x1a: {  	s8 =	sadd.s32 $0xFFFFE003, lr  }
0x1b: {  	s9 =	sadd.s32 $0xFFFFFEF7, lr;
	s5 =	simm.s32 $0xFFFFFFFF;
	p2 =	slt.u32 s8, $0xFFFFF086  }
0x1c: {  	p1 =	slt.u32 s9, $0xF7A;
	s5 =	simm.s32 @!p2 $0x0  }
0x1d: {  	s5 =	simm.s32 @p1 $0x1;
	p0 =	seq.s32 s7, s2  }
0x1e: {  	s7 =	smul.u32 @!p0 $0xF7A, s2;
	p2 =	seq.s32 @!p0 s5, $0x0  }
0x1f: {  	s9 =	smul.u32 $0xF7A, s1;
	s8 =	simm.s32 @!p0 $0x1BF5;
	p2 =	por !p2, p0  }
0x20: {  	[sflag:s8] =	ssyncset.s32 @!p0 $0xFFFFF086;
	s6 =	sadd.s32 @!p0 s3, s7;
	s7 =	simm.s32 @!p0 $0x108  }
0x21: {  	s3 =	sadd.s32 s3, s9;
	s6 =	sadd.s32 @!p0 $0x88, s6;
	s7 =	simm.s32 @p2 $0x1082  }
0x22: {  	[simem:s7], [sflag:s8] =	dma.local @!p0 [hbm:s6], $0xF7A  }
0x23: {  	s9 =	sor.u32 $0xD0000000, s2;
	s6 =	simm.s32 $0x108;
	_ =	swait.ge @!p0 [sflag:s8], $0x0  }
0x24: {  	s3 =	sadd.s32 $0x88, s3;
	s6 =	simm.s32 @!p1 $0x1082;
	[sflag:s4] =	ssyncset.s32 $0xFFFFF086  }
0x25: {  	[simem:s6], [sflag:s4] =	dma.local [hbm:s3], $0xF7A  }
0x26: {  	[smem:$0x3F9B] =	sst s1;
	(tag) =	ssettag s2;
	_ =	strace s9  }
0x27: {  	s1 =	sld [smem:$0x3FAB]  }
0x28: {  	s2 =	sld [smem:$0x3FAC]  }
0x29: {  	s4 =	sld [smem:$0x3FAE]  }
0x2a: {  	p0 =	seq.s32 s5, $0x0;
	s5 =	sld [smem:$0x3FAF]  }
0x2b: {  	s6 =	sld [smem:$0x3FB0]  }
0x2c: {  	s7 =	sld [smem:$0x3FB1]  }
0x2d: {  	s3 =	simm.s32 $0x108;
	s8 =	sld [smem:$0x3FB2]  }
0x2e: {  	s3 =	simm.s32 @!p0 $0x1082;
	s9 =	sld [smem:$0x3FB3]  }
0x2f: {  	lr =	sadd.s32 s0, s3;
	s0 =	sld [smem:$0x3FAA]  }
0x30: {  	s3 =	sld [smem:$0x3FAD]  }
0x31: {  	[smem:$0x3FB6] =	sst s10  }
0x32: {  	s10 =	sld [smem:$0x3FB4];
	_ =	sdelay $0x3  }
0x33: {  	p0 =	seq.s32 s10, $0x1;
	s10 =	sld [smem:$0x3FB6];
	_ =	sdelay $0x3  }
0x34: {  	[smem:$0x3FB6] =	sst s10  }
0x35: {  	s10 =	sld [smem:$0x3FB5];
	_ =	sdelay $0x3  }
0x36: {  	p1 =	seq.s32 s10, $0x1;
	s10 =	sld [smem:$0x3FB6];
	_ =	sdelay $0x3  }
0x37: {  	[smem:$0x3FB6] =	sst s10  }
0x38: {  	s10 =	sld [smem:$0x3FB7]  }
0x39: {  	_ = 	snop;
	(pc) =	sbr.ind lr, $3  }
0x3a: {  	_ = 	snop  }
0x3b: {  	_ = 	snop  }
0x3c: {  	p2 =	seq.s32 s10, $0x1;
	s10 =	sld [smem:$0x3FB6]  }
0x3d: {  	_ =	shalt  }
0x3e: {  	_ =	shalt  }
0x3f: {  	_ =	shalt  }
0x40: {  	_ =	shalt  }
0x41: {  	_ =	shalt  }
0x42: {  	_ =	shalt  }
0x43: {  	_ =	shalt  }
0x44: {  	_ =	shalt  }
0x45: {  	_ =	shalt  }
0x46: {  	_ =	shalt  }
0x47: {  	_ =	shalt  }
0x48: {  	_ =	shalt  }
0x49: {  	_ =	shalt  }
0x4a: {  	_ =	shalt  }
0x4b: {  	_ =	shalt  }
0x4c: {  	_ =	shalt  }
0x4d: {  	_ =	shalt  }
0x4e: {  	_ =	shalt  }
0x4f: {  	_ =	shalt  }
0x50: {  	_ =	shalt  }
0x51: {  	_ =	shalt  }
0x52: {  	_ =	shalt  }
0x53: {  	_ =	shalt  }
0x54: {  	_ =	shalt  }
0x55: {  	_ =	shalt  }
0x56: {  	_ =	shalt  }
0x57: {  	_ =	shalt  }
0x58: {  	_ =	shalt  }
0x59: {  	_ =	shalt  }
0x5a: {  	_ =	shalt  }
0x5b: {  	_ =	shalt  }
0x5c: {  	_ =	shalt  }
0x5d: {  	_ =	shalt  }
0x5e: {  	_ =	shalt  }
0x5f: {  	_ =	shalt  }
0x60: {  	_ =	shalt  }
0x61: {  	_ =	shalt  }
0x62: {  	_ =	shalt  }
0x63: {  	_ =	shalt  }
0x64: {  	_ =	shalt  }
0x65: {  	_ =	shalt  }
0x66: {  	_ =	shalt  }
0x67: {  	_ =	shalt  }
0x68: {  	_ =	shalt  }
0x69: {  	_ =	shalt  }
0x6a: {  	_ =	shalt  }
0x6b: {  	_ =	shalt  }
0x6c: {  	_ =	shalt  }
0x6d: {  	_ =	shalt  }
0x6e: {  	_ =	shalt  }
0x6f: {  	_ =	shalt  }
0x70: {  	_ =	shalt  }
0x71: {  	_ =	shalt  }
0x72: {  	_ =	shalt  }
0x73: {  	_ =	shalt  }
0x74: {  	_ =	shalt  }
0x75: {  	_ =	shalt  }
0x76: {  	_ =	shalt  }
0x77: {  	_ =	shalt  }
0x78: {  	_ =	shalt  }
0x79: {  	_ =	shalt  }
0x7a: {  	_ =	shalt  }
0x7b: {  	_ =	shalt  }
0x7c: {  	_ =	shalt  }
0x7d: {  	_ =	shalt  }
0x7e: {  	_ =	shalt  }
0x7f: {  	_ =	shalt  }
0x80: {  	_ =	shalt  }
0x81: {  	_ =	shalt  }
0x82: {  	_ =	shalt  }
0x83: {  	_ =	shalt  }
0x84: {  	_ =	shalt  }
0x85: {  	_ =	shalt  }
0x86: {  	_ =	shalt  }
0x87: {  	_ =	shalt  }
.Lfunc_end0:
.L_simem_size_0:
called_computation.1_lowered:
.L_overlay_start_0:
0x88: {  	s2 =	sld [smem:$0x3FD9]  }
0x89: {  	s3 =	sld [smem:$0x3FFE];
	_ =	sdelay $0x1  }
0x8a: {  	s1 =	srdreg.scid  }
0x8b: {  	s0 =	sand.u32 $0x1, s1  }
0x8c: {  	s17 =	sshll.u32 s0, $0xA;
	s2 =	sadd.s32 s3, s2  }
0x8d: {  	s2 =	sadd.s32 s2, s17  }
0x8e: {  	[smem:$0x3FC2] =	sst s2  }
0x8f: {  	_ = 	snop  }
0x90: {  	s2 =	sld [smem:$0x3FD0];
	(tm) =	ssettm $0x1  }
0x91: {  	s18 =	sld [smem:$0x3FFB];
	_ =	sdelay $0x3  }
0x92: {  	_ =	strace s18  }
0x93: {  	s3 =	sld [smem:$0x3FFC];
	_ =	sdelay $0x3  }
0x94: {  	_ =	strace s3  }
0x95: {  	s3 =	sld [smem:$0x3FFD];
	_ =	sdelay $0x3  }
0x96: {  	_ =	strace s3  }
0x97: {  	_ =	strace $0x8FFFFFFF  }
0x98: {  	s19 =	sld [smem:$0x3FDB];
	_ =	sdelay $0x1  }
0x99: {  	s4 =	simm.s32 $_scs_section_size  }
0x9a: {  	s5 =	simm.s32 $_size__tile_overlayer_lowered;
	s6 =	simm.s32 $_tile_overlayer_lowered  }
0x9b: {  	s22 =	simm.s32 $0x1BFF;
	s21 =	sshll.u32 s6, $0x1;
	s3 =	sadd.s32 s4, s19  }
0x9c: {  	s7 =	simm.s32 $0x0;
	s20 =	sshll.u32 s5, $0x1;
	s5 =	sadd.s32 s21, s3  }
0x9d: {  	[timem:s7], [sflag:s22] =	dma.local [hbm:s5], s20  }
0x9e: {  	_ =	swait.ge [sflag:s22], s20  }
0x9f: {  	s4 =	ssub.s32 $0x0, s20;
	[sflag:s22] =	ssyncset.done $0x0  }
0xa0: {  	[sflag:s22] =	ssyncadd.s32 s4;
	_ =	sdelay $0x1  }
0xa1: {  	s23 =	simm.s32 $0x1B8B  }
0xa2: {  	_ =	swait.ge [sflag:s23], $0x1  }
0xa3: {  	[sflag:s23] =	ssyncset.done $0x0  }
0xa4: {  	s25 =	simm.s32 $0x1B8E;
	s24 =	sld [smem:$0x3FFE];
	[sflag:s23] =	ssyncadd.s32 $0xFFFFFFFF  }
0xa5: {  	s26 =	simm.s32 $execute0_lowered;
	[smem:$0x3FD2] =	sst s25  }
0xa6: {  	s5 =	sshll.u32 s26, $0x1;
	_ =	strace $0x80000049;
	[dreg:$0x1] =	wrdreg $0xFFFFFFFF  }
0xa7: {  	s28 =	simm.s32 $_size_execute0_lowered;
	s3 =	sadd.s32 s3, s5;
	[dreg:$0x0] =	wrdreg $0x0  }
0xa8: {  	s5 =	sshll.u32 s28, $0x1;
	[dreg:$0x2] =	wrdreg s3  }
0xa9: {  	[dreg:$0x3] =	wrdreg s5  }
0xaa: {  	[dreg:$0x4] =	wrdreg $0xC0  }
0xab: {  	_ =	task [dreg:s7], $0x5FFFF  }
0xac: {  	[dreg:$0x1] =	wrdreg $0xFFFFFFFF  }
0xad: {  	[dreg:$0x0] =	wrdreg $0x60  }
0xae: {  	[dreg:$0x2] =	wrdreg s24  }
0xaf: {  	[dreg:$0x3] =	wrdreg s2  }
0xb0: {  	[dreg:$0x4] =	wrdreg $0x70000  }
0xb1: {  	[dreg:$0x5] =	wrdreg $0x9  }
0xb2: {  	_ =	task.clear_ibuf [dreg:s7], $0x6FFFF;
	_ =	strace $0x90000049  }
0xb3: {  	s29 =	simm.s32 $0x9;
	_ =	strace $0x8000004B  }
0xb4: {  	_ =	swait.ge [sflag:s29], $0x1  }
0xb5: {  	[sflag:s29] =	ssyncadd.s32 $0xFFFFFFFF  }
0xb6: {  	_ =	strace $0x9000004B  }
0xb7: {  	_ =	sfence  }
0xb8: {  	s30 =	sld [smem:$0x0];
	_ =	sdelay $0x2  }
0xb9: {  	s31 =	sshll.u32 s1, $0xD;
	s1 =	sshrl.u32 s1, $0x2  }
0xba: {  	s3 =	sand.u32 $0x4000, s31;
	s1 =	sadd.s32 s1, s30  }
0xbb: {  	s0 =	sor.u32 s3, s0;
	s1 =	sshll.u32 s1, $0x11  }
0xbc: {  	s0 =	sor.u32 s1, s0  }
0xbd: {  	s0 =	sadd.s32 $0x8F2B, s0  }
0xbe: {  	[sflag:s0] =	ssyncadd.remote.s32 $0x1  }
0xbf: {  	_ =	sfence.sel $0xFFFF  }
0xc0: {  	[dreg:$0x0] =	wrdreg $0xFFFFFFFF;
	(pc) =	sbr.abs _section_cstart, $3  }
0xc1: {  	[dreg:$0x1] =	wrdreg $0xFFFFFFFF  }
0xc2: {  	_ =	task.clear_ibuf [dreg:s7], $0x2FFFF;
	_ =	strace $0x9FFFFFFF  }
0xc3: {  	(tm) =	ssettm $0x7FFFFFFF  }
tec
execute0_lowered:
.L_overlay_start_1:
0x0: {  	(tag) =	ssettag $0x1  }
0x1: {  	s0 =	rddreg [dreg:$0x0]  }
0x2: {  	s9 =	rddreg [dreg:$0x1]  }
0x3: {  	s1 =	rddreg [dreg:$0x2]  }
0x4: {  	s2 =	srdreg.scid;
	s3 =	simm.s32 $0x0;
	s23 =	stileid.u32  }
0x5: {  	s13 =	simm.s32 $0x2800;
	s14 =	simm.s32 $0x80;
	s15 =	simm.s32 $0x5000  }
0x6: {  	s16 =	simm.s32 $0x5800;
	s17 =	simm.s32 $0x100;
	s18 =	simm.s32 $0x6000  }
0x7: {  	s19 =	simm.s32 $0x180;
	s20 =	simm.s32 $0x6800;
	s21 =	simm.s32 $0x1  }
0x8: {  	s22 =	simm.s32 $0x2;
	s28 =	simm.s32 $0x4F00;
	s29 =	simm.s32 $0x4F80  }
0x9: {  	s30 =	simm.s32 $0x0;
	s5 =	sand.u32 $0x1, s2;
	[smem:$0x7FF] =	sst s3  }
0xa: {  	s8 =	smul.u32 $0x2800, s23;
	s26 =	sshll.u32 s23, $0x6;
	s4 =	sshll.u32 s5, $0x4  }
0xb: {  	_ =	strace $0x8000004A;
	s7 =	ssub.s32 $0x2, s5;
	s11 =	smul.u32 $0x28000, s5  }
0xc: {  	s5 =	sadd.s32 $0xC800, s0;
	s4 =	sor.u32 s23, s4;
	s24 =	sshrl.u32 s7, $0x1  }
0xd: {  	s12 =	sadd.s32 s8, s1;
	s23 =	simm.s32 $0x3;
	s6 =	smul.u32 $0x500, s4  }
0xe: {  	s4 =	sadd.s32 $0x8C600, s0;
	s25 =	ssub.s32 s7, s24;
	s11 =	sadd.s32 s8, s11  }
0xf: {  	s24 =	simm.s32 $0x4;
	s31 =	sshrl.u32 s11, $0x3;
	s11 =	sshrl.u32 s12, $0x3  }
0x10: {  	s12 =	simm.s32 $0x5;
	s10 =	sadd.s32 s6, s0;
	s6 =	sor.u32 $0x1C05, s26  }
0x11: {  	s9 =	sadd.s32 s9, s31;
	s26 =	simm.s32 $0x4E80;
	s7 =	sadd.s32 $0xD000, s10  }
0x12: {  	s8 =	sadd.s32 $0x2800, s10;
	s10 =	smax.u32 s25, $0x1;
	s25 =	simm.s32 $0x4E00  }
.LBB2_1:
0x13: {  	[spmem:s11], [sflag:s6] =	dma.local [hbm:s5], $0x500  }
0x14: {  	_ =	swait.ge [sflag:s12], $0x500  }
0x15: {  	[sflag:s12] =	ssyncset.done $0x0  }
0x16: {  	[sflag:s12] =	ssyncadd.s32 $0xFFFFFB00  }
0x17: {  	[tilespmem:s3], [sflag:$0x5] =	stream.linear.gather [hbm4b:s7+s3], $0x2800, $0x38;
	[tilespmem:$0x9800] =	vst v63  }
0x18: {  	_ =	swait.ge [sflag:s12], $0x2800  }
0x19: {  	[sflag:s12] =	ssyncset.done $0x0  }
0x1a: {  	[sflag:s12] =	ssyncadd.s32 $0xFFFFD800  }
0x1b: {  	[tilespmem:s13], [sflag:$0x5] =	stream.linear.gather [hbm4b:s8+s3], $0x2800, $0x38;
	[tilespmem:$0x9800] =	vst v63  }
0x1c: {  	_ =	swait.ge [sflag:s12], $0x2800  }
0x1d: {  	[sflag:s12] =	ssyncset.done $0x0  }
0x1e: {  	[sflag:s12] =	ssyncadd.s32 $0xFFFFD800  }
0x1f: {  	[bflag:$0x0] =	sbarrier.arrive $0xFFFF  }
0x20: {  	[tilespmem:s15], [sflag:$0x1] =	stream.indirect.gather [hbm4b:s4+s14], $0x10, s3, s14, $0xb8;
	[tilespmem:$0x9800] =	vst v63  }
0x21: {  	_ = 	snop  }
0x22: {  	[tilespmem:s16], [sflag:$0x2] =	stream.indirect.gather [hbm4b:s4+s14], $0x10, s14, s14, $0xb8;
	[tilespmem:$0x9800] =	vst v63  }
0x23: {  	_ = 	snop  }
0x24: {  	[tilespmem:s18], [sflag:$0x3] =	stream.indirect.gather [hbm4b:s4+s14], $0x10, s17, s14, $0xb8;
	[tilespmem:$0x9800] =	vst v63  }
0x25: {  	_ = 	snop  }
0x26: {  	[tilespmem:s20], [sflag:$0x4] =	stream.indirect.gather [hbm4b:s4+s14], $0x10, s19, s14, $0xb8;
	[tilespmem:$0x9800] =	vst v63  }
0x27: {  	_ =	swait.ge [sflag:s21], $0x800  }
0x28: {  	[sflag:s21] =	ssyncset.done $0x0  }
0x29: {  	s0 =	simm.s32 $0x2800;
	[sflag:s21] =	ssyncadd.s32 $0xFFFFF800  }
0x2a: {  	[spmem:s1] =	stream.indirect.scatter.add.f32 [tilespmem:s15], [sflag:$0x5], $0x10, s0, s14, $0xb8;
	[tilespmem:$0x9800] =	vst v63  }
0x2b: {  	_ =	swait.ge [sflag:s12], $0x800  }
0x2c: {  	[sflag:s12] =	ssyncset.done $0x0  }
0x2d: {  	s2 =	simm.s32 $0x200;
	[sflag:s12] =	ssyncadd.s32 $0xFFFFF800  }
0x2e: {  	[tilespmem:s15], [sflag:$0x1] =	stream.indirect.gather [hbm4b:s4+s14], $0x10, s2, s14, $0xb8;
	[tilespmem:$0x9800] =	vst v63  }
0x2f: {  	_ =	swait.ge [sflag:s22], $0x800  }
0x30: {  	[sflag:s22] =	ssyncset.done $0x0  }
0x31: {  	s2 =	simm.s32 $0x2880;
	[sflag:s22] =	ssyncadd.s32 $0xFFFFF800  }
0x32: {  	[spmem:s1] =	stream.indirect.scatter.add.f32 [tilespmem:s16], [sflag:$0x5], $0x10, s2, s14, $0xb8;
	[tilespmem:$0x9800] =	vst v63  }
0x33: {  	_ =	swait.ge [sflag:s12], $0x800  }
0x34: {  	[sflag:s12] =	ssyncset.done $0x0  }
0x35: {  	s2 =	simm.s32 $0x280;
	[sflag:s12] =	ssyncadd.s32 $0xFFFFF800  }
0x36: {  	[tilespmem:s16], [sflag:$0x2] =	stream.indirect.gather [hbm4b:s4+s14], $0x10, s2, s14, $0xb8;
	[tilespmem:$0x9800] =	vst v63  }
0x37: {  	_ =	swait.ge [sflag:s23], $0x800  }
0x38: {  	[sflag:s23] =	ssyncset.done $0x0  }
0x39: {  	s2 =	simm.s32 $0x2900;
	[sflag:s23] =	ssyncadd.s32 $0xFFFFF800  }
0x3a: {  	[spmem:s1] =	stream.indirect.scatter.add.f32 [tilespmem:s18], [sflag:$0x5], $0x10, s2, s14, $0xb8;
	[tilespmem:$0x9800] =	vst v63  }
0x3b: {  	_ =	swait.ge [sflag:s12], $0x800  }
0x3c: {  	[sflag:s12] =	ssyncset.done $0x0  }
0x3d: {  	s2 =	simm.s32 $0x300;
	[sflag:s12] =	ssyncadd.s32 $0xFFFFF800  }
0x3e: {  	[tilespmem:s18], [sflag:$0x3] =	stream.indirect.gather [hbm4b:s4+s14], $0x10, s2, s14, $0xb8;
	[tilespmem:$0x9800] =	vst v63  }
0x3f: {  	_ =	swait.ge [sflag:s24], $0x800  }
0x40: {  	[sflag:s24] =	ssyncset.done $0x0  }
0x41: {  	s2 =	simm.s32 $0x2980;
	[sflag:s24] =	ssyncadd.s32 $0xFFFFF800  }
0x42: {  	[spmem:s1] =	stream.indirect.scatter.add.f32 [tilespmem:s20], [sflag:$0x5], $0x10, s2, s14, $0xb8;
	[tilespmem:$0x9800] =	vst v63  }
0x43: {  	_ =	swait.ge [sflag:s12], $0x800  }
0x44: {  	[sflag:s12] =	ssyncset.done $0x0  }
0x45: {  	s31 =	simm.s32 $0x800;
	s0 =	simm.s32 $0x380;
	[sflag:s12] =	ssyncadd.s32 $0xFFFFF800  }
.LBB2_2:
0x46: {  	[tilespmem:s20], [sflag:$0x4] =	stream.indirect.gather [hbm4b:s4+s14], $0x10, s0, s14, $0xb8;
	[tilespmem:$0x9800] =	vst v63  }
0x47: {  	s0 =	smov.u32 s31  }
0x48: {  	p0 =	sne.s32 s31, $0x9000;
	s31 =	sadd.s32 $0x800, s31;
	_ =	swait.ge [sflag:s21], $0x800  }
0x49: {  	s0 =	sshra.s32 s0, $0x2;
	[sflag:s21] =	ssyncset.done $0x0  }
0x4a: {  	s2 =	sadd.s32 $0x2800, s0;
	[sflag:s21] =	ssyncadd.s32 $0xFFFFF800  }
0x4b: {  	[spmem:s1] =	stream.indirect.scatter.add.f32 [tilespmem:s15], [sflag:$0x5], $0x10, s2, s14, $0xb8;
	[tilespmem:$0x9800] =	vst v63  }
0x4c: {  	_ =	swait.ge [sflag:s12], $0x800  }
0x4d: {  	[sflag:s12] =	ssyncset.done $0x0  }
0x4e: {  	s2 =	sadd.s32 $0x200, s0;
	[sflag:s12] =	ssyncadd.s32 $0xFFFFF800  }
0x4f: {  	[tilespmem:s15], [sflag:$0x1] =	stream.indirect.gather [hbm4b:s4+s14], $0x10, s2, s14, $0xb8;
	[tilespmem:$0x9800] =	vst v63  }
0x50: {  	_ =	swait.ge [sflag:s22], $0x800  }
0x51: {  	[sflag:s22] =	ssyncset.done $0x0  }
0x52: {  	s2 =	sadd.s32 $0x2880, s0;
	[sflag:s22] =	ssyncadd.s32 $0xFFFFF800  }
0x53: {  	[spmem:s1] =	stream.indirect.scatter.add.f32 [tilespmem:s16], [sflag:$0x5], $0x10, s2, s14, $0xb8;
	[tilespmem:$0x9800] =	vst v63  }
0x54: {  	_ =	swait.ge [sflag:s12], $0x800  }
0x55: {  	[sflag:s12] =	ssyncset.done $0x0  }
0x56: {  	s2 =	sadd.s32 $0x280, s0;
	[sflag:s12] =	ssyncadd.s32 $0xFFFFF800  }
0x57: {  	[tilespmem:s16], [sflag:$0x2] =	stream.indirect.gather [hbm4b:s4+s14], $0x10, s2, s14, $0xb8;
	[tilespmem:$0x9800] =	vst v63  }
0x58: {  	_ =	swait.ge [sflag:s23], $0x800  }
0x59: {  	[sflag:s23] =	ssyncset.done $0x0  }
0x5a: {  	s2 =	sadd.s32 $0x2900, s0;
	[sflag:s23] =	ssyncadd.s32 $0xFFFFF800  }
0x5b: {  	[spmem:s1] =	stream.indirect.scatter.add.f32 [tilespmem:s18], [sflag:$0x5], $0x10, s2, s14, $0xb8;
	[tilespmem:$0x9800] =	vst v63  }
0x5c: {  	_ =	swait.ge [sflag:s12], $0x800  }
0x5d: {  	[sflag:s12] =	ssyncset.done $0x0  }
0x5e: {  	s2 =	sadd.s32 $0x300, s0;
	[sflag:s12] =	ssyncadd.s32 $0xFFFFF800  }
0x5f: {  	[tilespmem:s18], [sflag:$0x3] =	stream.indirect.gather [hbm4b:s4+s14], $0x10, s2, s14, $0xb8;
	[tilespmem:$0x9800] =	vst v63  }
0x60: {  	_ =	swait.ge [sflag:s24], $0x800  }
0x61: {  	[sflag:s24] =	ssyncset.done $0x0  }
.Ltmp0:
0x62: {  	s2 =	sadd.s32 $0x2980, s0;
	[sflag:s24] =	ssyncadd.s32 $0xFFFFF800;
	(pc) =	sbr.rel @p0 .LBB2_2-.Ltmp0, $4  }
0x63: {  	[spmem:s1] =	stream.indirect.scatter.add.f32 [tilespmem:s20], [sflag:$0x5], $0x10, s2, s14, $0xb8;
	[tilespmem:$0x9800] =	vst v63  }
0x64: {  	_ =	swait.ge [sflag:s12], $0x800  }
0x65: {  	[sflag:s12] =	ssyncset.done $0x0  }
0x66: {  	s0 =	sadd.s32 $0x380, s0;
	[sflag:s12] =	ssyncadd.s32 $0xFFFFF800  }
0x67: {  	[tilespmem:s20], [sflag:$0x4] =	stream.indirect.gather [hbm4b:s4+s14], $0x10, s0, s14, $0xb8;
	[tilespmem:$0x9800] =	vst v63  }
0x68: {  	_ =	swait.ge [sflag:s21], $0x800  }
0x69: {  	[sflag:s21] =	ssyncset.done $0x0  }
0x6a: {  	[sflag:s21] =	ssyncadd.s32 $0xFFFFF800  }
0x6b: {  	[spmem:s1] =	stream.indirect.scatter.add.f32 [tilespmem:s15], [sflag:$0x5], $0x10, s25, s14, $0xb8;
	[tilespmem:$0x9800] =	vst v63  }
0x6c: {  	_ =	swait.ge [sflag:s12], $0x800  }
0x6d: {  	[sflag:s12] =	ssyncset.done $0x0  }
0x6e: {  	[sflag:s12] =	ssyncadd.s32 $0xFFFFF800  }
0x6f: {  	_ =	swait.ge [sflag:s22], $0x800  }
0x70: {  	[sflag:s22] =	ssyncset.done $0x0  }
0x71: {  	[sflag:s22] =	ssyncadd.s32 $0xFFFFF800  }
0x72: {  	[spmem:s1] =	stream.indirect.scatter.add.f32 [tilespmem:s16], [sflag:$0x5], $0x10, s26, s14, $0xb8;
	[tilespmem:$0x9800] =	vst v63  }
0x73: {  	_ =	swait.ge [sflag:s12], $0x800  }
0x74: {  	[sflag:s12] =	ssyncset.done $0x0  }
0x75: {  	[sflag:s12] =	ssyncadd.s32 $0xFFFFF800  }
0x76: {  	_ =	swait.ge [sflag:s23], $0x800  }
0x77: {  	[sflag:s23] =	ssyncset.done $0x0  }
0x78: {  	[sflag:s23] =	ssyncadd.s32 $0xFFFFF800  }
0x79: {  	[spmem:s1] =	stream.indirect.scatter.add.f32 [tilespmem:s18], [sflag:$0x5], $0x10, s28, s14, $0xb8;
	[tilespmem:$0x9800] =	vst v63  }
0x7a: {  	_ =	swait.ge [sflag:s12], $0x800  }
0x7b: {  	[sflag:s12] =	ssyncset.done $0x0  }
0x7c: {  	[sflag:s12] =	ssyncadd.s32 $0xFFFFF800  }
0x7d: {  	_ =	swait.ge [sflag:s24], $0x800  }
0x7e: {  	[sflag:s24] =	ssyncset.done $0x0  }
0x7f: {  	[sflag:s24] =	ssyncadd.s32 $0xFFFFF800  }
0x80: {  	[spmem:s1] =	stream.indirect.scatter.add.f32 [tilespmem:s20], [sflag:$0x5], $0x10, s29, s14, $0xb8;
	[tilespmem:$0x9800] =	vst v63  }
0x81: {  	_ =	swait.ge [sflag:s12], $0x800  }
0x82: {  	s30 =	sadd.s32 $0x1, s30;
	[sflag:s12] =	ssyncset.done $0x0  }
0x83: {  	p0 =	sne.s32 s30, s10;
	[sflag:s12] =	ssyncadd.s32 $0xFFFFF800  }
.Ltmp1:
0x84: {  	[bflag:$0x0] =	sbarrier.arrive $0xFFFF;
	(pc) =	sbr.rel @p0 .LBB2_1-.Ltmp1, $4  }
0x85: {  	[hbm:s9], [sflag:s6] =	dma.local [spmem:s11], $0x500  }
0x86: {  	_ =	swait.ge [sflag:s12], $0x500  }
0x87: {  	[sflag:s12] =	ssyncset.done $0x0  }
0x88: {  	[sflag:s12] =	ssyncadd.s32 $0xFFFFFB00  }
0x89: {  	_ =	sfence.sel $0x180000  }
0x8a: {  	[bflag:$0x0] =	sbarrier.arrive $0xFFFF  }
0x8b: {  	_ =	strace $0x9000004A  }
0x8c: {  	s0 =	stileid.u32;
	[bflag:$0x2] =	sbarrier.arrive $0xFFFF  }
0x8d: {  	p0 =	sne.s32 s0, $0x0;
	s0 =	rddreg [dreg:$0x3]  }
0x8e: {  	s0 =	sadd.s32 @!p0 $0x100000, s0  }
0x8f: {  	[sflag:s0] =	ssyncadd.tile.s32 @!p0 $0x1;
	_ =	shalt  }
.Lfunc_end2:
_tile_overlayer_lowered:
.L_overlay_start_2:
0x90: {  	(tag) =	ssettag $0x2  }
0x91: {  	s0 =	rddreg [dreg:$0x0];
	s2 =	stileid.u32  }
0x92: {  	s1 =	rddreg [dreg:$0x1];
	p0 =	sne.s32 s2, $0x0  }
0x93: {  	s3 =	rddreg [dreg:$0x2];
	[bflag:$0x3] =	sbarrier.arrive $0xFFFF;
	s2 =	simm.s32 @!p0 $0x1C05  }
0x94: {  	[timem:s3], [sflag:s2] =	dma.local @!p0 [hbm:s0], s1  }
0x95: {  	s0 =	simm.s32 @!p0 $0x5  }
0x96: {  	_ =	swait.ge @!p0 [sflag:s0], s1  }
0x97: {  	s1 =	ssub.s32 @!p0 $0x0, s1;
	[sflag:s0] =	ssyncset.done @!p0 $0x0  }
0x98: {  	[sflag:s0] =	ssyncadd.s32 @!p0 s1  }
0x99: {  	[bflag:$0x3] =	sbarrier.arrive $0xFFFF  }
0x9a: {  	_ =	shalt  }

// kernel: kernel.14.cloned.1.call-start
scs
__scs_entry_jumppad:
0x0: {  	(pc) =	sbr.rel $0x88, $3  }
0x1: {  	(tag) =	ssettag $0x0;
	lr =	simm.s32 $0x1  }
0x2: {  	[smem:$0x3F9B] =	sst lr;
	_ =	strace $0xD0000000  }
0x3: {  	_ = 	snop  }
0x4: {  	_ = 	snop  }
0x5: {  	_ = 	snop  }
0x6: {  	_ = 	snop  }
0x7: {  	_ = 	snop  }
__scs_overlays_trampoline_lowered:
0x8: {  	[smem:$0x3FAA] =	sst s0  }
0x9: {  	[smem:$0x3FAB] =	sst s1  }
0xa: {  	[smem:$0x3FAC] =	sst s2  }
0xb: {  	[smem:$0x3FAD] =	sst s3  }
0xc: {  	[smem:$0x3FAE] =	sst s4  }
0xd: {  	[smem:$0x3FAF] =	sst s5  }
0xe: {  	[smem:$0x3FB0] =	sst s6  }
0xf: {  	[smem:$0x3FB1] =	sst s7  }
0x10: {  	[smem:$0x3FB2] =	sst s8  }
0x11: {  	[smem:$0x3FB3] =	sst s9;
	s0 =	simm.s32 @!p0 $0x0  }
0x12: {  	s1 =	sld [smem:$0x3F99];
	s0 =	simm.s32 @p0 $0x1  }
0x13: {  	[smem:$0x3FB4] =	sst s0;
	s0 =	simm.s32 @!p1 $0x0  }
0x14: {  	s2 =	sld [smem:$0x3F98];
	s0 =	simm.s32 @p1 $0x1  }
0x15: {  	[smem:$0x3FB5] =	sst s0;
	s0 =	simm.s32 @!p2 $0x0  }
0x16: {  	s3 =	sld [smem:$0x3FDB];
	s0 =	simm.s32 @p2 $0x1  }
0x17: {  	s4 =	simm.s32 $0x1BF5;
	[smem:$0x3FB7] =	sst s0  }
0x18: {  	s0 =	sld [smem:$0x3F9A];
	_ =	swait.ge [sflag:s4], $0x0  }
0x19: {  	s7 =	sld [smem:$0x3F9B]  }
0x1a: {  	s8 =	sadd.s32 $0xFFFFE003, lr  }
0x1b: {  	s9 =	sadd.s32 $0xFFFFFEF7, lr;
	s5 =	simm.s32 $0xFFFFFFFF;
	p2 =	slt.u32 s8, $0xFFFFF086  }
0x1c: {  	p1 =	slt.u32 s9, $0xF7A;
	s5 =	simm.s32 @!p2 $0x0  }
0x1d: {  	s5 =	simm.s32 @p1 $0x1;
	p0 =	seq.s32 s7, s2  }
0x1e: {  	s7 =	smul.u32 @!p0 $0xF7A, s2;
	p2 =	seq.s32 @!p0 s5, $0x0  }
0x1f: {  	s9 =	smul.u32 $0xF7A, s1;
	s8 =	simm.s32 @!p0 $0x1BF5;
	p2 =	por !p2, p0  }
0x20: {  	[sflag:s8] =	ssyncset.s32 @!p0 $0xFFFFF086;
	s6 =	sadd.s32 @!p0 s3, s7;
	s7 =	simm.s32 @!p0 $0x108  }
0x21: {  	s3 =	sadd.s32 s3, s9;
	s6 =	sadd.s32 @!p0 $0x88, s6;
	s7 =	simm.s32 @p2 $0x1082  }
0x22: {  	[simem:s7], [sflag:s8] =	dma.local @!p0 [hbm:s6], $0xF7A  }
0x23: {  	s9 =	sor.u32 $0xD0000000, s2;
	s6 =	simm.s32 $0x108;
	_ =	swait.ge @!p0 [sflag:s8], $0x0  }
0x24: {  	s3 =	sadd.s32 $0x88, s3;
	s6 =	simm.s32 @!p1 $0x1082;
	[sflag:s4] =	ssyncset.s32 $0xFFFFF086  }
0x25: {  	[simem:s6], [sflag:s4] =	dma.local [hbm:s3], $0xF7A  }
0x26: {  	[smem:$0x3F9B] =	sst s1;
	(tag) =	ssettag s2;
	_ =	strace s9  }
0x27: {  	s1 =	sld [smem:$0x3FAB]  }
0x28: {  	s2 =	sld [smem:$0x3FAC]  }
0x29: {  	s4 =	sld [smem:$0x3FAE]  }
0x2a: {  	p0 =	seq.s32 s5, $0x0;
	s5 =	sld [smem:$0x3FAF]  }
0x2b: {  	s6 =	sld [smem:$0x3FB0]  }
0x2c: {  	s7 =	sld [smem:$0x3FB1]  }
0x2d: {  	s3 =	simm.s32 $0x108;
	s8 =	sld [smem:$0x3FB2]  }
0x2e: {  	s3 =	simm.s32 @!p0 $0x1082;
	s9 =	sld [smem:$0x3FB3]  }
0x2f: {  	lr =	sadd.s32 s0, s3;
	s0 =	sld [smem:$0x3FAA]  }
0x30: {  	s3 =	sld [smem:$0x3FAD]  }
0x31: {  	[smem:$0x3FB6] =	sst s10  }
0x32: {  	s10 =	sld [smem:$0x3FB4];
	_ =	sdelay $0x3  }
0x33: {  	p0 =	seq.s32 s10, $0x1;
	s10 =	sld [smem:$0x3FB6];
	_ =	sdelay $0x3  }
0x34: {  	[smem:$0x3FB6] =	sst s10  }
0x35: {  	s10 =	sld [smem:$0x3FB5];
	_ =	sdelay $0x3  }
0x36: {  	p1 =	seq.s32 s10, $0x1;
	s10 =	sld [smem:$0x3FB6];
	_ =	sdelay $0x3  }
0x37: {  	[smem:$0x3FB6] =	sst s10  }
0x38: {  	s10 =	sld [smem:$0x3FB7]  }
0x39: {  	_ = 	snop;
	(pc) =	sbr.ind lr, $3  }
0x3a: {  	_ = 	snop  }
0x3b: {  	_ = 	snop  }
0x3c: {  	p2 =	seq.s32 s10, $0x1;
	s10 =	sld [smem:$0x3FB6]  }
0x3d: {  	_ =	shalt  }
0x3e: {  	_ =	shalt  }
0x3f: {  	_ =	shalt  }
0x40: {  	_ =	shalt  }
0x41: {  	_ =	shalt  }
0x42: {  	_ =	shalt  }
0x43: {  	_ =	shalt  }
0x44: {  	_ =	shalt  }
0x45: {  	_ =	shalt  }
0x46: {  	_ =	shalt  }
0x47: {  	_ =	shalt  }
0x48: {  	_ =	shalt  }
0x49: {  	_ =	shalt  }
0x4a: {  	_ =	shalt  }
0x4b: {  	_ =	shalt  }
0x4c: {  	_ =	shalt  }
0x4d: {  	_ =	shalt  }
0x4e: {  	_ =	shalt  }
0x4f: {  	_ =	shalt  }
0x50: {  	_ =	shalt  }
0x51: {  	_ =	shalt  }
0x52: {  	_ =	shalt  }
0x53: {  	_ =	shalt  }
0x54: {  	_ =	shalt  }
0x55: {  	_ =	shalt  }
0x56: {  	_ =	shalt  }
0x57: {  	_ =	shalt  }
0x58: {  	_ =	shalt  }
0x59: {  	_ =	shalt  }
0x5a: {  	_ =	shalt  }
0x5b: {  	_ =	shalt  }
0x5c: {  	_ =	shalt  }
0x5d: {  	_ =	shalt  }
0x5e: {  	_ =	shalt  }
0x5f: {  	_ =	shalt  }
0x60: {  	_ =	shalt  }
0x61: {  	_ =	shalt  }
0x62: {  	_ =	shalt  }
0x63: {  	_ =	shalt  }
0x64: {  	_ =	shalt  }
0x65: {  	_ =	shalt  }
0x66: {  	_ =	shalt  }
0x67: {  	_ =	shalt  }
0x68: {  	_ =	shalt  }
0x69: {  	_ =	shalt  }
0x6a: {  	_ =	shalt  }
0x6b: {  	_ =	shalt  }
0x6c: {  	_ =	shalt  }
0x6d: {  	_ =	shalt  }
0x6e: {  	_ =	shalt  }
0x6f: {  	_ =	shalt  }
0x70: {  	_ =	shalt  }
0x71: {  	_ =	shalt  }
0x72: {  	_ =	shalt  }
0x73: {  	_ =	shalt  }
0x74: {  	_ =	shalt  }
0x75: {  	_ =	shalt  }
0x76: {  	_ =	shalt  }
0x77: {  	_ =	shalt  }
0x78: {  	_ =	shalt  }
0x79: {  	_ =	shalt  }
0x7a: {  	_ =	shalt  }
0x7b: {  	_ =	shalt  }
0x7c: {  	_ =	shalt  }
0x7d: {  	_ =	shalt  }
0x7e: {  	_ =	shalt  }
0x7f: {  	_ =	shalt  }
0x80: {  	_ =	shalt  }
0x81: {  	_ =	shalt  }
0x82: {  	_ =	shalt  }
0x83: {  	_ =	shalt  }
0x84: {  	_ =	shalt  }
0x85: {  	_ =	shalt  }
0x86: {  	_ =	shalt  }
0x87: {  	_ =	shalt  }
.Lfunc_end0:
.L_simem_size_0:
called_computation.2_lowered:
.L_overlay_start_0:
0x88: {  	s2 =	sld [smem:$0x3FD9]  }
0x89: {  	s3 =	sld [smem:$0x3FFE];
	_ =	sdelay $0x1  }
0x8a: {  	s1 =	srdreg.scid  }
0x8b: {  	s0 =	sand.u32 $0x1, s1  }
0x8c: {  	s17 =	sshll.u32 s0, $0xA;
	s2 =	sadd.s32 s3, s2  }
0x8d: {  	s2 =	sadd.s32 s2, s17  }
0x8e: {  	[smem:$0x3FC2] =	sst s2  }
0x8f: {  	_ = 	snop  }
0x90: {  	s2 =	sld [smem:$0x3FD0];
	(tm) =	ssettm $0x1  }
0x91: {  	s18 =	sld [smem:$0x3FFB];
	_ =	sdelay $0x3  }
0x92: {  	_ =	strace s18  }
0x93: {  	s3 =	sld [smem:$0x3FFC];
	_ =	sdelay $0x3  }
0x94: {  	_ =	strace s3  }
0x95: {  	s3 =	sld [smem:$0x3FFD];
	_ =	sdelay $0x3  }
0x96: {  	_ =	strace s3  }
0x97: {  	_ =	strace $0x8FFFFFFF  }
0x98: {  	s19 =	sld [smem:$0x3FDB];
	_ =	sdelay $0x1  }
0x99: {  	s4 =	simm.s32 $_scs_section_size  }
0x9a: {  	s5 =	simm.s32 $_size__tile_overlayer_lowered;
	s6 =	simm.s32 $_tile_overlayer_lowered  }
0x9b: {  	s22 =	simm.s32 $0x1BFF;
	s21 =	sshll.u32 s6, $0x1;
	s3 =	sadd.s32 s4, s19  }
0x9c: {  	s7 =	simm.s32 $0x0;
	s20 =	sshll.u32 s5, $0x1;
	s5 =	sadd.s32 s21, s3  }
0x9d: {  	[timem:s7], [sflag:s22] =	dma.local [hbm:s5], s20  }
0x9e: {  	_ =	swait.ge [sflag:s22], s20  }
0x9f: {  	s4 =	ssub.s32 $0x0, s20;
	[sflag:s22] =	ssyncset.done $0x0  }
0xa0: {  	[sflag:s22] =	ssyncadd.s32 s4;
	_ =	sdelay $0x1  }
0xa1: {  	s23 =	simm.s32 $0x1B8B  }
0xa2: {  	_ =	swait.ge [sflag:s23], $0x1  }
0xa3: {  	[sflag:s23] =	ssyncset.done $0x0  }
0xa4: {  	s25 =	simm.s32 $0x1B8E;
	s24 =	sld [smem:$0x3FFE];
	[sflag:s23] =	ssyncadd.s32 $0xFFFFFFFF  }
0xa5: {  	s26 =	simm.s32 $execute0_lowered;
	[smem:$0x3FD2] =	sst s25  }
0xa6: {  	s5 =	sshll.u32 s26, $0x1;
	_ =	strace $0x8000004C;
	[dreg:$0x1] =	wrdreg $0xFFFFFFFF  }
0xa7: {  	s28 =	simm.s32 $_size_execute0_lowered;
	s3 =	sadd.s32 s3, s5;
	[dreg:$0x0] =	wrdreg $0x0  }
0xa8: {  	s5 =	sshll.u32 s28, $0x1;
	[dreg:$0x2] =	wrdreg s3  }
0xa9: {  	[dreg:$0x3] =	wrdreg s5  }
0xaa: {  	[dreg:$0x4] =	wrdreg $0xC0  }
0xab: {  	_ =	task [dreg:s7], $0x5FFFF  }
0xac: {  	[dreg:$0x1] =	wrdreg $0xFFFFFFFF  }
0xad: {  	[dreg:$0x0] =	wrdreg $0x60  }
0xae: {  	[dreg:$0x2] =	wrdreg s2  }
0xaf: {  	[dreg:$0x3] =	wrdreg s24  }
0xb0: {  	[dreg:$0x4] =	wrdreg $0xA0000  }
0xb1: {  	[dreg:$0x5] =	wrdreg $0x9  }
0xb2: {  	_ =	task.clear_ibuf [dreg:s7], $0x6FFFF;
	_ =	strace $0x9000004C  }
0xb3: {  	s29 =	simm.s32 $0x9;
	_ =	strace $0x8000004E  }
0xb4: {  	_ =	swait.ge [sflag:s29], $0x1  }
0xb5: {  	[sflag:s29] =	ssyncadd.s32 $0xFFFFFFFF  }
0xb6: {  	_ =	strace $0x9000004E  }
0xb7: {  	_ =	sfence  }
0xb8: {  	s30 =	sld [smem:$0x0];
	_ =	sdelay $0x2  }
0xb9: {  	s31 =	sshll.u32 s1, $0xD;
	s1 =	sshrl.u32 s1, $0x2  }
0xba: {  	s3 =	sand.u32 $0x4000, s31;
	s1 =	sadd.s32 s1, s30  }
0xbb: {  	s0 =	sor.u32 s3, s0;
	s1 =	sshll.u32 s1, $0x11  }
0xbc: {  	s0 =	sor.u32 s1, s0  }
0xbd: {  	s0 =	sadd.s32 $0x8F2B, s0  }
0xbe: {  	[sflag:s0] =	ssyncadd.remote.s32 $0x1  }
0xbf: {  	_ =	sfence.sel $0xFFFF  }
0xc0: {  	[dreg:$0x0] =	wrdreg $0xFFFFFFFF;
	(pc) =	sbr.abs _section_cstart, $3  }
0xc1: {  	[dreg:$0x1] =	wrdreg $0xFFFFFFFF  }
0xc2: {  	_ =	task.clear_ibuf [dreg:s7], $0x2FFFF;
	_ =	strace $0x9FFFFFFF  }
0xc3: {  	(tm) =	ssettm $0x7FFFFFFF  }
tec
execute0_lowered:
.L_overlay_start_1:
0x0: {  	(tag) =	ssettag $0x1  }
0x1: {  	s2 =	rddreg [dreg:$0x0]  }
0x2: {  	s0 =	rddreg [dreg:$0x1];
	s4 =	srdreg.scid  }
0x3: {  	s3 =	rddreg [dreg:$0x2];
	s1 =	stileid.u32;
	s12 =	simm.s32 $0x5  }
0x4: {  	s13 =	simm.s32 $0x2800;
	s14 =	simm.s32 $0x80;
	s15 =	simm.s32 $0x5000  }
0x5: {  	s16 =	simm.s32 $0x6400;
	s17 =	simm.s32 $0x100;
	s18 =	simm.s32 $0x7800  }
0x6: {  	s19 =	simm.s32 $0x180;
	s20 =	simm.s32 $0x8C00;
	s21 =	simm.s32 $0x1  }
0x7: {  	s22 =	simm.s32 $0x2;
	s23 =	simm.s32 $0x3;
	s28 =	simm.s32 $0x4F00  }
0x8: {  	s29 =	simm.s32 $0x4F80;
	s30 =	simm.s32 $0x0;
	s5 =	sand.u32 $0x1, s4  }
0x9: {  	s7 =	smul.u32 $0x6400, s1;
	s4 =	simm.s32 $0x0;
	s31 =	sshll.u32 s1, $0x6  }
0xa: {  	s6 =	sshll.u32 s5, $0x4;
	s8 =	smul.u32 $0x64000, s5;
	[smem:$0x7FF] =	sst s4  }
0xb: {  	s25 =	ssub.s32 $0x2, s5;
	s5 =	sadd.s32 $0x65400, s0;
	s6 =	sor.u32 s1, s6  }
0xc: {  	_ =	strace $0x8000004D;
	s26 =	sshrl.u32 s25, $0x1;
	s11 =	sadd.s32 s7, s3  }
0xd: {  	s6 =	smul.u32 $0x500, s6;
	s8 =	sadd.s32 s7, s8;
	s10 =	ssub.s32 s25, s26  }
0xe: {  	s11 =	sshrl.u32 s11, $0x3;
	s25 =	simm.s32 $0x4E00;
	s26 =	simm.s32 $0x4E80  }
0xf: {  	s24 =	sshrl.u32 s8, $0x3;
	s10 =	smax.u32 s10, $0x1;
	s9 =	sadd.s32 s6, s0  }
0x10: {  	s0 =	sadd.s32 s24, s0;
	s6 =	sor.u32 $0x1C05, s31;
	s24 =	simm.s32 $0x4  }
0x11: {  	s7 =	sadd.s32 $0xD000, s9;
	s8 =	sadd.s32 $0x2800, s9;
	s9 =	sadd.s32 $0x66200, s0  }
.LBB2_1:
0x12: {  	[spmem:s11], [sflag:s6] =	dma.local [hbm:s5], $0xC80  }
0x13: {  	_ =	swait.ge [sflag:s12], $0xC80  }
0x14: {  	[sflag:s12] =	ssyncset.done $0x0  }
0x15: {  	[sflag:s12] =	ssyncadd.s32 $0xFFFFF380  }
0x16: {  	[tilespmem:s4], [sflag:$0x5] =	stream.linear.gather [hbm4b:s7+s4], $0x2800, $0x38;
	[tilespmem:$0x10400] =	vst v63  }
0x17: {  	_ =	swait.ge [sflag:s12], $0x2800  }
0x18: {  	[sflag:s12] =	ssyncset.done $0x0  }
0x19: {  	[sflag:s12] =	ssyncadd.s32 $0xFFFFD800  }
0x1a: {  	[tilespmem:s13], [sflag:$0x5] =	stream.linear.gather [hbm4b:s8+s4], $0x2800, $0x38;
	[tilespmem:$0x10400] =	vst v63  }
0x1b: {  	_ =	swait.ge [sflag:s12], $0x2800  }
0x1c: {  	[sflag:s12] =	ssyncset.done $0x0  }
0x1d: {  	[sflag:s12] =	ssyncadd.s32 $0xFFFFD800  }
0x1e: {  	[bflag:$0x0] =	sbarrier.arrive $0xFFFF  }
0x1f: {  	[tilespmem:s15], [sflag:$0x1] =	stream.indirect.gather [hbm4b:s2+s14], $0x28, s4, s14, $0xb8;
	[tilespmem:$0x10400] =	vst v63  }
0x20: {  	_ = 	snop  }
0x21: {  	[tilespmem:s16], [sflag:$0x2] =	stream.indirect.gather [hbm4b:s2+s14], $0x28, s14, s14, $0xb8;
	[tilespmem:$0x10400] =	vst v63  }
0x22: {  	_ = 	snop  }
0x23: {  	[tilespmem:s18], [sflag:$0x3] =	stream.indirect.gather [hbm4b:s2+s14], $0x28, s17, s14, $0xb8;
	[tilespmem:$0x10400] =	vst v63  }
0x24: {  	_ = 	snop  }
0x25: {  	[tilespmem:s20], [sflag:$0x4] =	stream.indirect.gather [hbm4b:s2+s14], $0x28, s19, s14, $0xb8;
	[tilespmem:$0x10400] =	vst v63  }
0x26: {  	_ =	swait.ge [sflag:s21], $0x1400  }
0x27: {  	[sflag:s21] =	ssyncset.done $0x0  }
0x28: {  	s0 =	simm.s32 $0x2800;
	[sflag:s21] =	ssyncadd.s32 $0xFFFFEC00  }
0x29: {  	[spmem:s3] =	stream.indirect.scatter.add.f32 [tilespmem:s15], [sflag:$0x5], $0x28, s0, s14, $0xb8;
	[tilespmem:$0x10400] =	vst v63  }
0x2a: {  	_ =	swait.ge [sflag:s12], $0x1400  }
0x2b: {  	[sflag:s12] =	ssyncset.done $0x0  }
0x2c: {  	s1 =	simm.s32 $0x200;
	[sflag:s12] =	ssyncadd.s32 $0xFFFFEC00  }
0x2d: {  	[tilespmem:s15], [sflag:$0x1] =	stream.indirect.gather [hbm4b:s2+s14], $0x28, s1, s14, $0xb8;
	[tilespmem:$0x10400] =	vst v63  }
0x2e: {  	_ =	swait.ge [sflag:s22], $0x1400  }
0x2f: {  	[sflag:s22] =	ssyncset.done $0x0  }
0x30: {  	s1 =	simm.s32 $0x2880;
	[sflag:s22] =	ssyncadd.s32 $0xFFFFEC00  }
0x31: {  	[spmem:s3] =	stream.indirect.scatter.add.f32 [tilespmem:s16], [sflag:$0x5], $0x28, s1, s14, $0xb8;
	[tilespmem:$0x10400] =	vst v63  }
0x32: {  	_ =	swait.ge [sflag:s12], $0x1400  }
0x33: {  	[sflag:s12] =	ssyncset.done $0x0  }
0x34: {  	s1 =	simm.s32 $0x280;
	[sflag:s12] =	ssyncadd.s32 $0xFFFFEC00  }
0x35: {  	[tilespmem:s16], [sflag:$0x2] =	stream.indirect.gather [hbm4b:s2+s14], $0x28, s1, s14, $0xb8;
	[tilespmem:$0x10400] =	vst v63  }
0x36: {  	_ =	swait.ge [sflag:s23], $0x1400  }
0x37: {  	[sflag:s23] =	ssyncset.done $0x0  }
0x38: {  	s1 =	simm.s32 $0x2900;
	[sflag:s23] =	ssyncadd.s32 $0xFFFFEC00  }
0x39: {  	[spmem:s3] =	stream.indirect.scatter.add.f32 [tilespmem:s18], [sflag:$0x5], $0x28, s1, s14, $0xb8;
	[tilespmem:$0x10400] =	vst v63  }
0x3a: {  	_ =	swait.ge [sflag:s12], $0x1400  }
0x3b: {  	[sflag:s12] =	ssyncset.done $0x0  }
0x3c: {  	s1 =	simm.s32 $0x300;
	[sflag:s12] =	ssyncadd.s32 $0xFFFFEC00  }
0x3d: {  	[tilespmem:s18], [sflag:$0x3] =	stream.indirect.gather [hbm4b:s2+s14], $0x28, s1, s14, $0xb8;
	[tilespmem:$0x10400] =	vst v63  }
0x3e: {  	_ =	swait.ge [sflag:s24], $0x1400  }
0x3f: {  	[sflag:s24] =	ssyncset.done $0x0  }
0x40: {  	s1 =	simm.s32 $0x2980;
	[sflag:s24] =	ssyncadd.s32 $0xFFFFEC00  }
0x41: {  	[spmem:s3] =	stream.indirect.scatter.add.f32 [tilespmem:s20], [sflag:$0x5], $0x28, s1, s14, $0xb8;
	[tilespmem:$0x10400] =	vst v63  }
0x42: {  	_ =	swait.ge [sflag:s12], $0x1400  }
0x43: {  	[sflag:s12] =	ssyncset.done $0x0  }
0x44: {  	s31 =	simm.s32 $0x800;
	s0 =	simm.s32 $0x380;
	[sflag:s12] =	ssyncadd.s32 $0xFFFFEC00  }
.LBB2_2:
0x45: {  	[tilespmem:s20], [sflag:$0x4] =	stream.indirect.gather [hbm4b:s2+s14], $0x28, s0, s14, $0xb8;
	[tilespmem:$0x10400] =	vst v63  }
0x46: {  	s0 =	smov.u32 s31  }
0x47: {  	p0 =	sne.s32 s31, $0x9000;
	s31 =	sadd.s32 $0x800, s31;
	_ =	swait.ge [sflag:s21], $0x1400  }
0x48: {  	s0 =	sshra.s32 s0, $0x2;
	[sflag:s21] =	ssyncset.done $0x0  }
0x49: {  	s1 =	sadd.s32 $0x2800, s0;
	[sflag:s21] =	ssyncadd.s32 $0xFFFFEC00  }
0x4a: {  	[spmem:s3] =	stream.indirect.scatter.add.f32 [tilespmem:s15], [sflag:$0x5], $0x28, s1, s14, $0xb8;
	[tilespmem:$0x10400] =	vst v63  }
0x4b: {  	_ =	swait.ge [sflag:s12], $0x1400  }
0x4c: {  	[sflag:s12] =	ssyncset.done $0x0  }
0x4d: {  	s1 =	sadd.s32 $0x200, s0;
	[sflag:s12] =	ssyncadd.s32 $0xFFFFEC00  }
0x4e: {  	[tilespmem:s15], [sflag:$0x1] =	stream.indirect.gather [hbm4b:s2+s14], $0x28, s1, s14, $0xb8;
	[tilespmem:$0x10400] =	vst v63  }
0x4f: {  	_ =	swait.ge [sflag:s22], $0x1400  }
0x50: {  	[sflag:s22] =	ssyncset.done $0x0  }
0x51: {  	s1 =	sadd.s32 $0x2880, s0;
	[sflag:s22] =	ssyncadd.s32 $0xFFFFEC00  }
0x52: {  	[spmem:s3] =	stream.indirect.scatter.add.f32 [tilespmem:s16], [sflag:$0x5], $0x28, s1, s14, $0xb8;
	[tilespmem:$0x10400] =	vst v63  }
0x53: {  	_ =	swait.ge [sflag:s12], $0x1400  }
0x54: {  	[sflag:s12] =	ssyncset.done $0x0  }
0x55: {  	s1 =	sadd.s32 $0x280, s0;
	[sflag:s12] =	ssyncadd.s32 $0xFFFFEC00  }
0x56: {  	[tilespmem:s16], [sflag:$0x2] =	stream.indirect.gather [hbm4b:s2+s14], $0x28, s1, s14, $0xb8;
	[tilespmem:$0x10400] =	vst v63  }
0x57: {  	_ =	swait.ge [sflag:s23], $0x1400  }
0x58: {  	[sflag:s23] =	ssyncset.done $0x0  }
0x59: {  	s1 =	sadd.s32 $0x2900, s0;
	[sflag:s23] =	ssyncadd.s32 $0xFFFFEC00  }
0x5a: {  	[spmem:s3] =	stream.indirect.scatter.add.f32 [tilespmem:s18], [sflag:$0x5], $0x28, s1, s14, $0xb8;
	[tilespmem:$0x10400] =	vst v63  }
0x5b: {  	_ =	swait.ge [sflag:s12], $0x1400  }
0x5c: {  	[sflag:s12] =	ssyncset.done $0x0  }
0x5d: {  	s1 =	sadd.s32 $0x300, s0;
	[sflag:s12] =	ssyncadd.s32 $0xFFFFEC00  }
0x5e: {  	[tilespmem:s18], [sflag:$0x3] =	stream.indirect.gather [hbm4b:s2+s14], $0x28, s1, s14, $0xb8;
	[tilespmem:$0x10400] =	vst v63  }
0x5f: {  	_ =	swait.ge [sflag:s24], $0x1400  }
0x60: {  	[sflag:s24] =	ssyncset.done $0x0  }
.Ltmp0:
0x61: {  	s1 =	sadd.s32 $0x2980, s0;
	[sflag:s24] =	ssyncadd.s32 $0xFFFFEC00;
	(pc) =	sbr.rel @p0 .LBB2_2-.Ltmp0, $4  }
0x62: {  	[spmem:s3] =	stream.indirect.scatter.add.f32 [tilespmem:s20], [sflag:$0x5], $0x28, s1, s14, $0xb8;
	[tilespmem:$0x10400] =	vst v63  }
0x63: {  	_ =	swait.ge [sflag:s12], $0x1400  }
0x64: {  	[sflag:s12] =	ssyncset.done $0x0  }
0x65: {  	s0 =	sadd.s32 $0x380, s0;
	[sflag:s12] =	ssyncadd.s32 $0xFFFFEC00  }
0x66: {  	[tilespmem:s20], [sflag:$0x4] =	stream.indirect.gather [hbm4b:s2+s14], $0x28, s0, s14, $0xb8;
	[tilespmem:$0x10400] =	vst v63  }
0x67: {  	_ =	swait.ge [sflag:s21], $0x1400  }
0x68: {  	[sflag:s21] =	ssyncset.done $0x0  }
0x69: {  	[sflag:s21] =	ssyncadd.s32 $0xFFFFEC00  }
0x6a: {  	[spmem:s3] =	stream.indirect.scatter.add.f32 [tilespmem:s15], [sflag:$0x5], $0x28, s25, s14, $0xb8;
	[tilespmem:$0x10400] =	vst v63  }
0x6b: {  	_ =	swait.ge [sflag:s12], $0x1400  }
0x6c: {  	[sflag:s12] =	ssyncset.done $0x0  }
0x6d: {  	[sflag:s12] =	ssyncadd.s32 $0xFFFFEC00  }
0x6e: {  	_ =	swait.ge [sflag:s22], $0x1400  }
0x6f: {  	[sflag:s22] =	ssyncset.done $0x0  }
0x70: {  	[sflag:s22] =	ssyncadd.s32 $0xFFFFEC00  }
0x71: {  	[spmem:s3] =	stream.indirect.scatter.add.f32 [tilespmem:s16], [sflag:$0x5], $0x28, s26, s14, $0xb8;
	[tilespmem:$0x10400] =	vst v63  }
0x72: {  	_ =	swait.ge [sflag:s12], $0x1400  }
0x73: {  	[sflag:s12] =	ssyncset.done $0x0  }
0x74: {  	[sflag:s12] =	ssyncadd.s32 $0xFFFFEC00  }
0x75: {  	_ =	swait.ge [sflag:s23], $0x1400  }
0x76: {  	[sflag:s23] =	ssyncset.done $0x0  }
0x77: {  	[sflag:s23] =	ssyncadd.s32 $0xFFFFEC00  }
0x78: {  	[spmem:s3] =	stream.indirect.scatter.add.f32 [tilespmem:s18], [sflag:$0x5], $0x28, s28, s14, $0xb8;
	[tilespmem:$0x10400] =	vst v63  }
0x79: {  	_ =	swait.ge [sflag:s12], $0x1400  }
0x7a: {  	[sflag:s12] =	ssyncset.done $0x0  }
0x7b: {  	[sflag:s12] =	ssyncadd.s32 $0xFFFFEC00  }
0x7c: {  	_ =	swait.ge [sflag:s24], $0x1400  }
0x7d: {  	[sflag:s24] =	ssyncset.done $0x0  }
0x7e: {  	[sflag:s24] =	ssyncadd.s32 $0xFFFFEC00  }
0x7f: {  	[spmem:s3] =	stream.indirect.scatter.add.f32 [tilespmem:s20], [sflag:$0x5], $0x28, s29, s14, $0xb8;
	[tilespmem:$0x10400] =	vst v63  }
0x80: {  	_ =	swait.ge [sflag:s12], $0x1400  }
0x81: {  	s30 =	sadd.s32 $0x1, s30;
	[sflag:s12] =	ssyncset.done $0x0  }
0x82: {  	p0 =	sne.s32 s30, s10;
	[sflag:s12] =	ssyncadd.s32 $0xFFFFEC00  }
.Ltmp1:
0x83: {  	[bflag:$0x0] =	sbarrier.arrive $0xFFFF;
	(pc) =	sbr.rel @p0 .LBB2_1-.Ltmp1, $4  }
0x84: {  	[hbm:s9], [sflag:s6] =	dma.local [spmem:s11], $0xC80  }
0x85: {  	_ =	swait.ge [sflag:s12], $0xC80  }
0x86: {  	[sflag:s12] =	ssyncset.done $0x0  }
0x87: {  	[sflag:s12] =	ssyncadd.s32 $0xFFFFF380  }
0x88: {  	_ =	sfence.sel $0x180000  }
0x89: {  	[bflag:$0x0] =	sbarrier.arrive $0xFFFF  }
0x8a: {  	_ =	strace $0x9000004D  }
0x8b: {  	s0 =	stileid.u32;
	[bflag:$0x2] =	sbarrier.arrive $0xFFFF  }
0x8c: {  	p0 =	sne.s32 s0, $0x0;
	s0 =	rddreg [dreg:$0x3]  }
0x8d: {  	s0 =	sadd.s32 @!p0 $0x100000, s0  }
0x8e: {  	[sflag:s0] =	ssyncadd.tile.s32 @!p0 $0x1;
	_ =	shalt  }
.Lfunc_end2:
_tile_overlayer_lowered:
.L_overlay_start_2:
0x8f: {  	(tag) =	ssettag $0x2  }
0x90: {  	s0 =	rddreg [dreg:$0x0];
	s2 =	stileid.u32  }
0x91: {  	s1 =	rddreg [dreg:$0x1];
	p0 =	sne.s32 s2, $0x0  }
0x92: {  	s3 =	rddreg [dreg:$0x2];
	[bflag:$0x3] =	sbarrier.arrive $0xFFFF;
	s2 =	simm.s32 @!p0 $0x1C05  }
0x93: {  	[timem:s3], [sflag:s2] =	dma.local @!p0 [hbm:s0], s1  }
0x94: {  	s0 =	simm.s32 @!p0 $0x5  }
0x95: {  	_ =	swait.ge @!p0 [sflag:s0], s1  }
0x96: {  	s1 =	ssub.s32 @!p0 $0x0, s1;
	[sflag:s0] =	ssyncset.done @!p0 $0x0  }
0x97: {  	[sflag:s0] =	ssyncadd.s32 @!p0 s1  }
0x98: {  	[bflag:$0x3] =	sbarrier.arrive $0xFFFF  }
0x99: {  	_ =	shalt  }

// kernel: kernel.8.cloned.1.call-start
scs
__scs_entry_jumppad:
0x0: {  	(pc) =	sbr.rel $0x88, $3  }
0x1: {  	(tag) =	ssettag $0x0;
	lr =	simm.s32 $0x1  }
0x2: {  	[smem:$0x3F9B] =	sst lr;
	_ =	strace $0xD0000000  }
0x3: {  	_ = 	snop  }
0x4: {  	_ = 	snop  }
0x5: {  	_ = 	snop  }
0x6: {  	_ = 	snop  }
0x7: {  	_ = 	snop  }
__scs_overlays_trampoline_lowered:
0x8: {  	[smem:$0x3FAA] =	sst s0  }
0x9: {  	[smem:$0x3FAB] =	sst s1  }
0xa: {  	[smem:$0x3FAC] =	sst s2  }
0xb: {  	[smem:$0x3FAD] =	sst s3  }
0xc: {  	[smem:$0x3FAE] =	sst s4  }
0xd: {  	[smem:$0x3FAF] =	sst s5  }
0xe: {  	[smem:$0x3FB0] =	sst s6  }
0xf: {  	[smem:$0x3FB1] =	sst s7  }
0x10: {  	[smem:$0x3FB2] =	sst s8  }
0x11: {  	[smem:$0x3FB3] =	sst s9;
	s0 =	simm.s32 @!p0 $0x0  }
0x12: {  	s1 =	sld [smem:$0x3F99];
	s0 =	simm.s32 @p0 $0x1  }
0x13: {  	[smem:$0x3FB4] =	sst s0;
	s0 =	simm.s32 @!p1 $0x0  }
0x14: {  	s2 =	sld [smem:$0x3F98];
	s0 =	simm.s32 @p1 $0x1  }
0x15: {  	[smem:$0x3FB5] =	sst s0;
	s0 =	simm.s32 @!p2 $0x0  }
0x16: {  	s3 =	sld [smem:$0x3FDB];
	s0 =	simm.s32 @p2 $0x1  }
0x17: {  	s4 =	simm.s32 $0x1BF5;
	[smem:$0x3FB7] =	sst s0  }
0x18: {  	s0 =	sld [smem:$0x3F9A];
	_ =	swait.ge [sflag:s4], $0x0  }
0x19: {  	s7 =	sld [smem:$0x3F9B]  }
0x1a: {  	s8 =	sadd.s32 $0xFFFFE003, lr  }
0x1b: {  	s9 =	sadd.s32 $0xFFFFFEF7, lr;
	s5 =	simm.s32 $0xFFFFFFFF;
	p2 =	slt.u32 s8, $0xFFFFF086  }
0x1c: {  	p1 =	slt.u32 s9, $0xF7A;
	s5 =	simm.s32 @!p2 $0x0  }
0x1d: {  	s5 =	simm.s32 @p1 $0x1;
	p0 =	seq.s32 s7, s2  }
0x1e: {  	s7 =	smul.u32 @!p0 $0xF7A, s2;
	p2 =	seq.s32 @!p0 s5, $0x0  }
0x1f: {  	s9 =	smul.u32 $0xF7A, s1;
	s8 =	simm.s32 @!p0 $0x1BF5;
	p2 =	por !p2, p0  }
0x20: {  	[sflag:s8] =	ssyncset.s32 @!p0 $0xFFFFF086;
	s6 =	sadd.s32 @!p0 s3, s7;
	s7 =	simm.s32 @!p0 $0x108  }
0x21: {  	s3 =	sadd.s32 s3, s9;
	s6 =	sadd.s32 @!p0 $0x88, s6;
	s7 =	simm.s32 @p2 $0x1082  }
0x22: {  	[simem:s7], [sflag:s8] =	dma.local @!p0 [hbm:s6], $0xF7A  }
0x23: {  	s9 =	sor.u32 $0xD0000000, s2;
	s6 =	simm.s32 $0x108;
	_ =	swait.ge @!p0 [sflag:s8], $0x0  }
0x24: {  	s3 =	sadd.s32 $0x88, s3;
	s6 =	simm.s32 @!p1 $0x1082;
	[sflag:s4] =	ssyncset.s32 $0xFFFFF086  }
0x25: {  	[simem:s6], [sflag:s4] =	dma.local [hbm:s3], $0xF7A  }
0x26: {  	[smem:$0x3F9B] =	sst s1;
	(tag) =	ssettag s2;
	_ =	strace s9  }
0x27: {  	s1 =	sld [smem:$0x3FAB]  }
0x28: {  	s2 =	sld [smem:$0x3FAC]  }
0x29: {  	s4 =	sld [smem:$0x3FAE]  }
0x2a: {  	p0 =	seq.s32 s5, $0x0;
	s5 =	sld [smem:$0x3FAF]  }
0x2b: {  	s6 =	sld [smem:$0x3FB0]  }
0x2c: {  	s7 =	sld [smem:$0x3FB1]  }
0x2d: {  	s3 =	simm.s32 $0x108;
	s8 =	sld [smem:$0x3FB2]  }
0x2e: {  	s3 =	simm.s32 @!p0 $0x1082;
	s9 =	sld [smem:$0x3FB3]  }
0x2f: {  	lr =	sadd.s32 s0, s3;
	s0 =	sld [smem:$0x3FAA]  }
0x30: {  	s3 =	sld [smem:$0x3FAD]  }
0x31: {  	[smem:$0x3FB6] =	sst s10  }
0x32: {  	s10 =	sld [smem:$0x3FB4];
	_ =	sdelay $0x3  }
0x33: {  	p0 =	seq.s32 s10, $0x1;
	s10 =	sld [smem:$0x3FB6];
	_ =	sdelay $0x3  }
0x34: {  	[smem:$0x3FB6] =	sst s10  }
0x35: {  	s10 =	sld [smem:$0x3FB5];
	_ =	sdelay $0x3  }
0x36: {  	p1 =	seq.s32 s10, $0x1;
	s10 =	sld [smem:$0x3FB6];
	_ =	sdelay $0x3  }
0x37: {  	[smem:$0x3FB6] =	sst s10  }
0x38: {  	s10 =	sld [smem:$0x3FB7]  }
0x39: {  	_ = 	snop;
	(pc) =	sbr.ind lr, $3  }
0x3a: {  	_ = 	snop  }
0x3b: {  	_ = 	snop  }
0x3c: {  	p2 =	seq.s32 s10, $0x1;
	s10 =	sld [smem:$0x3FB6]  }
0x3d: {  	_ =	shalt  }
0x3e: {  	_ =	shalt  }
0x3f: {  	_ =	shalt  }
0x40: {  	_ =	shalt  }
0x41: {  	_ =	shalt  }
0x42: {  	_ =	shalt  }
0x43: {  	_ =	shalt  }
0x44: {  	_ =	shalt  }
0x45: {  	_ =	shalt  }
0x46: {  	_ =	shalt  }
0x47: {  	_ =	shalt  }
0x48: {  	_ =	shalt  }
0x49: {  	_ =	shalt  }
0x4a: {  	_ =	shalt  }
0x4b: {  	_ =	shalt  }
0x4c: {  	_ =	shalt  }
0x4d: {  	_ =	shalt  }
0x4e: {  	_ =	shalt  }
0x4f: {  	_ =	shalt  }
0x50: {  	_ =	shalt  }
0x51: {  	_ =	shalt  }
0x52: {  	_ =	shalt  }
0x53: {  	_ =	shalt  }
0x54: {  	_ =	shalt  }
0x55: {  	_ =	shalt  }
0x56: {  	_ =	shalt  }
0x57: {  	_ =	shalt  }
0x58: {  	_ =	shalt  }
0x59: {  	_ =	shalt  }
0x5a: {  	_ =	shalt  }
0x5b: {  	_ =	shalt  }
0x5c: {  	_ =	shalt  }
0x5d: {  	_ =	shalt  }
0x5e: {  	_ =	shalt  }
0x5f: {  	_ =	shalt  }
0x60: {  	_ =	shalt  }
0x61: {  	_ =	shalt  }
0x62: {  	_ =	shalt  }
0x63: {  	_ =	shalt  }
0x64: {  	_ =	shalt  }
0x65: {  	_ =	shalt  }
0x66: {  	_ =	shalt  }
0x67: {  	_ =	shalt  }
0x68: {  	_ =	shalt  }
0x69: {  	_ =	shalt  }
0x6a: {  	_ =	shalt  }
0x6b: {  	_ =	shalt  }
0x6c: {  	_ =	shalt  }
0x6d: {  	_ =	shalt  }
0x6e: {  	_ =	shalt  }
0x6f: {  	_ =	shalt  }
0x70: {  	_ =	shalt  }
0x71: {  	_ =	shalt  }
0x72: {  	_ =	shalt  }
0x73: {  	_ =	shalt  }
0x74: {  	_ =	shalt  }
0x75: {  	_ =	shalt  }
0x76: {  	_ =	shalt  }
0x77: {  	_ =	shalt  }
0x78: {  	_ =	shalt  }
0x79: {  	_ =	shalt  }
0x7a: {  	_ =	shalt  }
0x7b: {  	_ =	shalt  }
0x7c: {  	_ =	shalt  }
0x7d: {  	_ =	shalt  }
0x7e: {  	_ =	shalt  }
0x7f: {  	_ =	shalt  }
0x80: {  	_ =	shalt  }
0x81: {  	_ =	shalt  }
0x82: {  	_ =	shalt  }
0x83: {  	_ =	shalt  }
0x84: {  	_ =	shalt  }
0x85: {  	_ =	shalt  }
0x86: {  	_ =	shalt  }
0x87: {  	_ =	shalt  }
.Lfunc_end0:
.L_simem_size_0:
called_computation_lowered:
.L_overlay_start_0:
0x88: {  	s2 =	sld [smem:$0x3FD9]  }
0x89: {  	s3 =	sld [smem:$0x3FFE];
	_ =	sdelay $0x1  }
0x8a: {  	s1 =	srdreg.scid  }
0x8b: {  	s0 =	sand.u32 $0x1, s1  }
0x8c: {  	s17 =	sshll.u32 s0, $0xA;
	s2 =	sadd.s32 s3, s2  }
0x8d: {  	s2 =	sadd.s32 s2, s17  }
0x8e: {  	[smem:$0x3FC2] =	sst s2  }
0x8f: {  	_ = 	snop  }
0x90: {  	s2 =	sld [smem:$0x3FD0];
	(tm) =	ssettm $0x1  }
0x91: {  	s18 =	sld [smem:$0x3FFB];
	_ =	sdelay $0x3  }
0x92: {  	_ =	strace s18  }
0x93: {  	s3 =	sld [smem:$0x3FFC];
	_ =	sdelay $0x3  }
0x94: {  	_ =	strace s3  }
0x95: {  	s3 =	sld [smem:$0x3FFD];
	_ =	sdelay $0x3  }
0x96: {  	_ =	strace s3  }
0x97: {  	_ =	strace $0x8FFFFFFF  }
0x98: {  	s19 =	sld [smem:$0x3FDB];
	_ =	sdelay $0x1  }
0x99: {  	s4 =	simm.s32 $_scs_section_size  }
0x9a: {  	s5 =	simm.s32 $_size__tile_overlayer_lowered;
	s6 =	simm.s32 $_tile_overlayer_lowered  }
0x9b: {  	s22 =	simm.s32 $0x1BFF;
	s21 =	sshll.u32 s6, $0x1;
	s3 =	sadd.s32 s4, s19  }
0x9c: {  	s7 =	simm.s32 $0x0;
	s20 =	sshll.u32 s5, $0x1;
	s5 =	sadd.s32 s21, s3  }
0x9d: {  	[timem:s7], [sflag:s22] =	dma.local [hbm:s5], s20  }
0x9e: {  	_ =	swait.ge [sflag:s22], s20  }
0x9f: {  	s4 =	ssub.s32 $0x0, s20;
	[sflag:s22] =	ssyncset.done $0x0  }
0xa0: {  	[sflag:s22] =	ssyncadd.s32 s4;
	_ =	sdelay $0x1  }
0xa1: {  	s23 =	simm.s32 $0x1B8B  }
0xa2: {  	_ =	swait.ge [sflag:s23], $0x1  }
0xa3: {  	[sflag:s23] =	ssyncset.done $0x0  }
0xa4: {  	s25 =	simm.s32 $0x1B8E;
	s24 =	sld [smem:$0x3FFE];
	[sflag:s23] =	ssyncadd.s32 $0xFFFFFFFF  }
0xa5: {  	s26 =	simm.s32 $execute0_lowered;
	[smem:$0x3FD2] =	sst s25  }
0xa6: {  	s5 =	sshll.u32 s26, $0x1;
	_ =	strace $0x80000046;
	[dreg:$0x1] =	wrdreg $0xFFFFFFFF  }
0xa7: {  	s28 =	simm.s32 $_size_execute0_lowered;
	s3 =	sadd.s32 s3, s5;
	[dreg:$0x0] =	wrdreg $0x0  }
0xa8: {  	s5 =	sshll.u32 s28, $0x1;
	[dreg:$0x2] =	wrdreg s3  }
0xa9: {  	[dreg:$0x3] =	wrdreg s5  }
0xaa: {  	[dreg:$0x4] =	wrdreg $0xC0  }
0xab: {  	_ =	task [dreg:s7], $0x5FFFF  }
0xac: {  	[dreg:$0x1] =	wrdreg $0xFFFFFFFF  }
0xad: {  	[dreg:$0x0] =	wrdreg $0x60  }
0xae: {  	[dreg:$0x2] =	wrdreg s24  }
0xaf: {  	[dreg:$0x3] =	wrdreg s2  }
0xb0: {  	[dreg:$0x4] =	wrdreg $0x30000  }
0xb1: {  	[dreg:$0x5] =	wrdreg $0x9  }
0xb2: {  	_ =	task.clear_ibuf [dreg:s7], $0x6FFFF;
	_ =	strace $0x90000046  }
0xb3: {  	s29 =	simm.s32 $0x9;
	_ =	strace $0x80000048  }
0xb4: {  	_ =	swait.ge [sflag:s29], $0x1  }
0xb5: {  	[sflag:s29] =	ssyncadd.s32 $0xFFFFFFFF  }
0xb6: {  	_ =	strace $0x90000048  }
0xb7: {  	_ =	sfence  }
0xb8: {  	s30 =	sld [smem:$0x0];
	_ =	sdelay $0x2  }
0xb9: {  	s31 =	sshll.u32 s1, $0xD;
	s1 =	sshrl.u32 s1, $0x2  }
0xba: {  	s3 =	sand.u32 $0x4000, s31;
	s1 =	sadd.s32 s1, s30  }
0xbb: {  	s0 =	sor.u32 s3, s0;
	s1 =	sshll.u32 s1, $0x11  }
0xbc: {  	s0 =	sor.u32 s1, s0  }
0xbd: {  	s0 =	sadd.s32 $0x8F2B, s0  }
0xbe: {  	[sflag:s0] =	ssyncadd.remote.s32 $0x1  }
0xbf: {  	_ =	sfence.sel $0xFFFF  }
0xc0: {  	[dreg:$0x0] =	wrdreg $0xFFFFFFFF;
	(pc) =	sbr.abs _section_cstart, $3  }
0xc1: {  	[dreg:$0x1] =	wrdreg $0xFFFFFFFF  }
0xc2: {  	_ =	task.clear_ibuf [dreg:s7], $0x2FFFF;
	_ =	strace $0x9FFFFFFF  }
0xc3: {  	(tm) =	ssettm $0x7FFFFFFF  }
tec
execute0_lowered:
.L_overlay_start_1:
0x0: {  	(tag) =	ssettag $0x1  }
0x1: {  	s5 =	rddreg [dreg:$0x0]  }
0x2: {  	s8 =	rddreg [dreg:$0x1]  }
0x3: {  	s0 =	srdreg.scid;
	s2 =	rddreg [dreg:$0x2]  }
0x4: {  	s3 =	simm.s32 $0x0;
	s13 =	simm.s32 $0x80;
	s14 =	simm.s32 $0x0  }
0x5: {  	s4 =	sand.u32 $0x1, s0;
	s0 =	stileid.u32;
	[smem:$0x7FF] =	sst s3  }
0x6: {  	s1 =	sshll.u32 s4, $0x4;
	s7 =	smul.u32 $0x2800, s0;
	s9 =	ssub.s32 $0x2, s4  }
0x7: {  	s10 =	smul.u32 $0x28000, s4;
	s4 =	sadd.s32 $0xCE00, s5;
	s31 =	sshll.u32 s0, $0x6  }
0x8: {  	s6 =	sor.u32 s0, s1;
	s1 =	rddreg [dreg:$0x3];
	_ =	strace $0x80000047  }
0x9: {  	s28 =	sshrl.u32 s9, $0x1;
	s6 =	smul.u32 $0x500, s6;
	s29 =	sadd.s32 s7, s10  }
0xa: {  	s9 =	ssub.s32 s9, s28;
	s30 =	sadd.s32 s7, s2;
	s12 =	sshrl.u32 s29, $0x3  }
0xb: {  	s9 =	smax.u32 s9, $0x1;
	s10 =	sshrl.u32 s30, $0x3;
	s11 =	sadd.s32 s6, s5  }
0xc: {  	s5 =	sadd.s32 $0xC800, s5;
	s6 =	sor.u32 $0x1C01, s31;
	s8 =	sadd.s32 s8, s12  }
0xd: {  	s12 =	simm.s32 $0x2800;
	s7 =	sadd.s32 $0x2800, s11;
	s11 =	simm.s32 $0x1  }
.LBB2_1:
0xe: {  	[spmem:s10], [sflag:s6] =	dma.local [hbm:s5], $0x500  }
0xf: {  	_ =	swait.ge [sflag:s11], $0x500  }
0x10: {  	[sflag:s11] =	ssyncset.done $0x0  }
0x11: {  	[sflag:s11] =	ssyncadd.s32 $0xFFFFFB00  }
0x12: {  	[tilespmem:s3], [sflag:$0x1] =	stream.linear.gather [hbm4b:s7+s3], $0x2800, $0x38;
	[tilespmem:$0x5800] =	vst v63  }
0x13: {  	_ =	swait.ge [sflag:s11], $0x2800  }
0x14: {  	[sflag:s11] =	ssyncset.done $0x0  }
0x15: {  	[sflag:s11] =	ssyncadd.s32 $0xFFFFD800  }
0x16: {  	[tilespmem:s12], [sflag:$0x1] =	stream.linear.gather [hbm4b:s4+s3], $0x800, $0x38;
	[tilespmem:$0x5800] =	vst v63  }
0x17: {  	_ =	swait.ge [sflag:s11], $0x800  }
0x18: {  	[sflag:s11] =	ssyncset.done $0x0  }
0x19: {  	[sflag:s11] =	ssyncadd.s32 $0xFFFFF800  }
0x1a: {  	s15 =	simm.s32 $0x0;
	[bflag:$0x0] =	sbarrier.arrive $0xFFFF  }
0x1b: {  	[spmem:s2] =	stream.indirect.scatter.add.f32 [tilespmem:s12], [sflag:$0x1], $0x10, s15, s13, $0xb8;
	[tilespmem:$0x5800] =	vst v63  }
0x1c: {  	_ =	swait.ge [sflag:s11], $0x800  }
0x1d: {  	s15 =	simm.s32 $0x200;
	[sflag:s11] =	ssyncset.done $0x0  }
.LBB2_2:
0x1e: {  	s16 =	sshra.s32 s15, $0x2;
	[sflag:s11] =	ssyncadd.s32 $0xFFFFF800;
	p0 =	sne.s32 s15, $0x9E00  }
0x1f: {  	[spmem:s2] =	stream.indirect.scatter.add.f32 [tilespmem:s12], [sflag:$0x1], $0x10, s16, s13, $0xb8;
	[tilespmem:$0x5800] =	vst v63  }
.Ltmp0:
0x20: {  	_ = 	snop;
	(pc) =	sbr.rel @p0 .LBB2_2-.Ltmp0, $4  }
0x21: {  	_ = 	snop  }
0x22: {  	s15 =	sadd.s32 $0x200, s15  }
0x23: {  	_ =	swait.ge [sflag:s11], $0x800  }
0x24: {  	[sflag:s11] =	ssyncset.done $0x0  }
0x25: {  	s14 =	sadd.s32 $0x1, s14  }
0x26: {  	[sflag:s11] =	ssyncadd.s32 $0xFFFFF800;
	p0 =	sne.s32 s14, s9  }
.Ltmp1:
0x27: {  	[bflag:$0x0] =	sbarrier.arrive $0xFFFF;
	(pc) =	sbr.rel @p0 .LBB2_1-.Ltmp1, $4  }
0x28: {  	[hbm:s8], [sflag:s6] =	dma.local [spmem:s10], $0x500  }
0x29: {  	_ =	swait.ge [sflag:s11], $0x500  }
0x2a: {  	[sflag:s11] =	ssyncset.done $0x0  }
0x2b: {  	[sflag:s11] =	ssyncadd.s32 $0xFFFFFB00  }
0x2c: {  	_ =	sfence.sel $0x180000  }
0x2d: {  	[bflag:$0x0] =	sbarrier.arrive $0xFFFF  }
0x2e: {  	p0 =	sne.s32 s0, $0x0;
	_ =	strace $0x90000047  }
0x2f: {  	s0 =	sadd.s32 @!p0 $0x100000, s1;
	[bflag:$0x2] =	sbarrier.arrive $0xFFFF  }
0x30: {  	[sflag:s0] =	ssyncadd.tile.s32 @!p0 $0x1;
	_ =	shalt  }
.Lfunc_end2:
_tile_overlayer_lowered:
.L_overlay_start_2:
0x31: {  	(tag) =	ssettag $0x2  }
0x32: {  	s0 =	rddreg [dreg:$0x0];
	s2 =	stileid.u32  }
0x33: {  	s1 =	rddreg [dreg:$0x1];
	p0 =	sne.s32 s2, $0x0  }
0x34: {  	s3 =	rddreg [dreg:$0x2];
	[bflag:$0x3] =	sbarrier.arrive $0xFFFF;
	s2 =	simm.s32 @!p0 $0x1C01  }
0x35: {  	[timem:s3], [sflag:s2] =	dma.local @!p0 [hbm:s0], s1  }
0x36: {  	s0 =	simm.s32 @!p0 $0x1  }
0x37: {  	_ =	swait.ge @!p0 [sflag:s0], s1  }
0x38: {  	s1 =	ssub.s32 @!p0 $0x0, s1;
	[sflag:s0] =	ssyncset.done @!p0 $0x0  }
0x39: {  	[sflag:s0] =	ssyncadd.s32 @!p0 s1  }
0x3a: {  	[bflag:$0x3] =	sbarrier.arrive $0xFFFF  }
0x3b: {  	_ =	shalt  }

</sc_bundles>
